<compile_context>
chip_gen: v7x
topology: tpu7x:2x2x1
jax: 0.10.2.dev20260603
libtpu: 0.0.44.dev20260713+nightly
codegen_flags: <defaults>
</compile_context>

<pallas_src>
import functools

import jax
import jax.numpy as jnp
from jax import lax
from jax.experimental import pallas as pl
from jax.experimental.pallas import tpu as pltpu
from jax.experimental.pallas import tpu_sc as plsc

_N = 10000
_E = 320000
_D = 128
_NC = 2
_NS = 16
_K = 80
_NCH = 250
_EP = _NCH * _K
_NP = 10240
_RP = _NP // _NS
_NBUF = 5
_BS = 1000
_NB = _N // _BS


def _sc_agg_body(xw_hbm, row_hbm, col_hbm, sel_hbm, zrows_hbm,
                 out_hbm, row_v, col_v, tab_v, *rest):
    bufs = rest[:_NBUF]
    acc_sh = rest[_NBUF]
    gsems = rest[_NBUF + 1:2 * _NBUF + 1]
    ssems = rest[2 * _NBUF + 1:]
    c = lax.axis_index("c")
    s = lax.axis_index("s")
    pltpu.sync_copy(row_hbm.at[s], row_v)
    pltpu.sync_copy(col_hbm.at[s], col_v)
    pltpu.sync_copy(sel_hbm.at[c], tab_v)

    def translate(j, carry):
        for jj in range(_K // 16):
            cols16 = col_v[j, pl.ds(jj * 16, 16)]
            col_v[j, pl.ds(jj * 16, 16)] = plsc.load_gather(tab_v, [cols16])
        return carry

    lax.fori_loop(0, _NCH, translate, 0)

    rbase = s * _RP

    def g_start(j, b):
        pltpu.async_copy(xw_hbm.at[col_v.at[j]], bufs[b], gsems[b])

    def g_wait(b):
        pltpu.make_async_copy(xw_hbm.at[col_v.at[0]], bufs[b],
                              gsems[b]).wait()

    def s_start(j, b):
        pltpu.async_copy(bufs[b], acc_sh.at[row_v.at[j]], ssems[b], add=True)

    def s_wait(b):
        pltpu.make_async_copy(bufs[b], acc_sh.at[row_v.at[0]],
                              ssems[b]).wait()

    for b in range(_NBUF):
        g_start(b, b)
    pltpu.sync_copy(zrows_hbm, acc_sh.at[pl.ds(rbase, _RP)])
    plsc.subcore_barrier()

    def turn(t, carry):
        j0 = t * _NBUF
        for b in range(_NBUF):
            j = j0 + b
            g_wait(b)
            s_start(j, b)
            s_wait(b)
            g_start(j + _NBUF, b)
        return carry

    lax.fori_loop(0, _NCH // _NBUF - 1, turn, 0)

    for b in range(_NBUF):
        j = _NCH - _NBUF + b
        g_wait(b)
        s_start(j, b)
        s_wait(b)

    plsc.subcore_barrier()
    pltpu.sync_copy(acc_sh.at[pl.ds(rbase, _RP)],
                    out_hbm.at[c, pl.ds(rbase, _RP)])


@functools.lru_cache(maxsize=1)
def _sc_agg():
    mesh = plsc.VectorSubcoreMesh(core_axis_name="c", subcore_axis_name="s")
    return pl.kernel(
        _sc_agg_body,
        mesh=mesh,
        compiler_params=pltpu.CompilerParams(needs_layout_passes=False,
                                             use_tc_tiling_on_sc=False),
        out_type=jax.ShapeDtypeStruct((_NC, _NP, _D), jnp.bfloat16),
        scratch_types=(
            [pltpu.VMEM((_NCH, _K), jnp.int32),
             pltpu.VMEM((_NCH, _K), jnp.int32),
             pltpu.VMEM((_N,), jnp.int32)]
            + [pltpu.VMEM((_K, _D), jnp.bfloat16)
               for _ in range(_NBUF)]
            + [pltpu.VMEM_SHARED((_NP, _D), jnp.bfloat16)]
            + [pltpu.SemaphoreType.DMA for _ in range(2 * _NBUF)]
        ),
    )


def _xw_body(x_ref, w_ref, o_ref):
    xw = jnp.dot(x_ref[...], w_ref[...], preferred_element_type=jnp.float32)
    o_ref[...] = xw.astype(jnp.bfloat16)


def _epi_body(aggs_ref, b_ref, pw_ref, wbil_ref, bb_ref, out_ref, csum_ref):
    ph = pl.program_id(0)
    b = b_ref[...]
    pw = pw_ref[...]

    @pl.when(ph == 0)
    def _csum_phase():
        z = aggs_ref[0].astype(jnp.float32) + b
        z = jnp.where(z > 0, z, pw * z)

        @pl.when(pl.program_id(1) == 0)
        def _init():
            csum_ref[...] = jnp.zeros_like(csum_ref)

        csum_ref[...] += jnp.sum(z, axis=0, keepdims=True)

    @pl.when(ph == 1)
    def _loss_phase():
        z = aggs_ref[0].astype(jnp.float32) + b
        z = jnp.where(z > 0, z, pw * z)
        zn = aggs_ref[1].astype(jnp.float32) + b
        zn = jnp.where(zn > 0, zn, pw * zn)
        m = csum_ref[...] * (1.0 / _N)
        g = 1.0 / (1.0 + jnp.exp(-m))
        gw = jnp.sum(wbil_ref[...] * g, axis=1, keepdims=True)
        bb = bb_ref[0, 0]
        sv = jnp.dot(z, gw, preferred_element_type=jnp.float32) + bb
        snv = jnp.dot(zn, gw, preferred_element_type=jnp.float32) + bb
        part = (jnp.sum(jnp.maximum(sv, 0.0) - sv
                        + jnp.log(1.0 + jnp.exp(-jnp.abs(sv))))
                + jnp.sum(jnp.maximum(snv, 0.0)
                          + jnp.log(1.0 + jnp.exp(-jnp.abs(snv)))))

        @pl.when(pl.program_id(1) == 0)
        def _init():
            out_ref[0, 0] = 0.0

        out_ref[0, 0] += part * (1.0 / (2.0 * _N))


def kernel(x, edges, perm, W_enc, b_enc, prelu_w, W_bil, b_bil):
    row3 = edges[:, 0].reshape(_NS, _NCH, _K)
    col3 = edges[:, 1].reshape(_NS, _NCH, _K)
    sel = jnp.stack([jnp.arange(_N, dtype=jnp.int32),
                     perm.astype(jnp.int32)])
    zrows = jnp.zeros((_RP, _D), jnp.bfloat16)

    xw = pl.pallas_call(
        _xw_body,
        grid=(_NB,),
        in_specs=[pl.BlockSpec((_BS, _D), lambda i: (i, 0)),
                  pl.BlockSpec((_D, _D), lambda i: (0, 0))],
        out_specs=pl.BlockSpec((_BS, _D), lambda i: (i, 0)),
        out_shape=jax.ShapeDtypeStruct((_N, _D), jnp.bfloat16),
    )(x, W_enc)

    aggs = _sc_agg()(xw, row3, col3, sel, zrows)

    b2 = b_enc.reshape(1, _D)
    pw2 = prelu_w.reshape(1, _D)
    loss2 = pl.pallas_call(
        _epi_body,
        grid=(2, _NB),
        in_specs=[pl.BlockSpec((_NC, _BS, _D), lambda p, i: (0, i, 0)),
                  pl.BlockSpec((1, _D), lambda p, i: (0, 0)),
                  pl.BlockSpec((1, _D), lambda p, i: (0, 0)),
                  pl.BlockSpec((_D, _D), lambda p, i: (0, 0)),
                  pl.BlockSpec(memory_space=pltpu.SMEM)],
        out_specs=pl.BlockSpec(memory_space=pltpu.SMEM),
        out_shape=jax.ShapeDtypeStruct((1, 1), jnp.float32),
        scratch_shapes=[pltpu.VMEM((1, _D), jnp.float32)],
    )(aggs, b2, pw2, W_bil, b_bil.reshape(1, 1))

    return loss2[0, 0]

# --- scband reference (transcript-rebuilt; emitter-appended) ---
"""Pipeline reference for scband-pretrain-dgi-24369644437903 (READ-ONLY COPY).

The authoritative reference and input builder live on the scoring server;
editing this copy changes nothing except your own understanding.
"""

import jax, jax.numpy as jnp
import numpy as np

N = 10000
E = 320000
D = 128

def setup_inputs(seed: int = 0) -> dict:
    key = jax.random.key(seed)
    ks = jax.random.split(key, 6)
    x = jax.random.normal(ks[0], (N, D), dtype=jnp.float32)
    edges = jax.random.randint(ks[1], (E, 2), 0, N, dtype=jnp.int32)
    perm = jax.random.permutation(ks[2], N)
    W_enc = jax.random.normal(ks[3], (D, D), dtype=jnp.float32) * (1.0 / np.sqrt(D))
    b_enc = jnp.zeros((D,), dtype=jnp.float32)
    prelu_w = jnp.full((D,), 0.25, dtype=jnp.float32)
    lim = float(np.sqrt(6.0 / (D + D)))
    W_bil = jax.random.uniform(ks[4], (D, D), minval=-lim, maxval=lim, dtype=jnp.float32)
    b_bil = jnp.zeros((), dtype=jnp.float32)
    return {"x": x, "edges": edges, "perm": perm, "W_enc": W_enc, "b_enc": b_enc,
            "prelu_w": prelu_w, "W_bil": W_bil, "b_bil": b_bil}

def reference(x, edges, perm, W_enc, b_enc, prelu_w, W_bil, b_bil):
    # A = SparseTensor.from_edge_index(edges.t(), ones(E), [N, N]); row=edges[:,0], col=edges[:,1]
    row = edges[:, 0]
    col = edges[:, 1]
    def encoder(feat):
        # one-layer GCN: aggregate neighbors via sparse A @ feat, then linear
        agg = jnp.zeros((feat.shape[0], feat.shape[1]), feat.dtype).at[row].add(feat[col])
        return agg @ W_enc + b_enc
    def prelu(v):
        return jnp.where(v > 0, v, prelu_w * v)
    z = prelu(encoder(x))
    g = jax.nn.sigmoid(jnp.mean(z, axis=0))  # summary vector (same for all rows after expand)
    gW = W_bil @ g  # bilinear: s_i = z_i^T W g + b
    s = z @ gW + b_bil
    xn = x[perm]  # corrupted (shuffled) features
    zn = prelu(encoder(xn))
    sn = zn @ gW + b_bil
    logits = jnp.concatenate([s, sn], axis=0)
    labels = jnp.concatenate([jnp.ones_like(s), jnp.zeros_like(sn)], axis=0)
    # BCEWithLogitsLoss (mean reduction), numerically stable form
    loss = jnp.mean(jnp.maximum(logits, 0.0) - logits * labels + jnp.log1p(jnp.exp(-jnp.abs(logits))))
    return loss

if __name__ == "__main__":
    import jax
    _d = setup_inputs()
    print(jax.jit(kernel)(*tuple(_d.values())))

</pallas_src>

<mosaic_0001>
#map = affine_map<(d0, d1) -> (0, 0)>
#map1 = affine_map<(d0, d1) -> (0, 0, 0)>
module attributes {stable_mosaic.version = 14 : i64} {
  func.func @_sc_agg_body(%arg0: i32, %arg1: i32, %arg2: memref<10000x128xbf16, #tpu.memory_space<hbm>>, %arg3: memref<16x250x80xi32, #tpu.memory_space<hbm>>, %arg4: memref<16x250x80xi32, #tpu.memory_space<hbm>>, %arg5: memref<2x10000xi32, #tpu.memory_space<hbm>>, %arg6: memref<640x128xbf16, #tpu.memory_space<hbm>>, %arg7: memref<2x10240x128xbf16, #tpu.memory_space<hbm>>, %arg8: memref<250x80xi32, #tpu.memory_space<vmem>>, %arg9: memref<250x80xi32, #tpu.memory_space<vmem>>, %arg10: memref<10000xi32, #tpu.memory_space<vmem>>, %arg11: memref<80x128xbf16, #tpu.memory_space<vmem>>, %arg12: memref<80x128xbf16, #tpu.memory_space<vmem>>, %arg13: memref<80x128xbf16, #tpu.memory_space<vmem>>, %arg14: memref<80x128xbf16, #tpu.memory_space<vmem>>, %arg15: memref<80x128xbf16, #tpu.memory_space<vmem>>, %arg16: memref<10240x128xbf16, #tpu.memory_space<vmem_shared>>, %arg17: memref<!tpu.dma_semaphore, #tpu.memory_space<semaphore_mem>>, %arg18: memref<!tpu.dma_semaphore, #tpu.memory_space<semaphore_mem>>, %arg19: memref<!tpu.dma_semaphore, #tpu.memory_space<semaphore_mem>>, %arg20: memref<!tpu.dma_semaphore, #tpu.memory_space<semaphore_mem>>, %arg21: memref<!tpu.dma_semaphore, #tpu.memory_space<semaphore_mem>>, %arg22: memref<!tpu.dma_semaphore, #tpu.memory_space<semaphore_mem>>, %arg23: memref<!tpu.dma_semaphore, #tpu.memory_space<semaphore_mem>>, %arg24: memref<!tpu.dma_semaphore, #tpu.memory_space<semaphore_mem>>, %arg25: memref<!tpu.dma_semaphore, #tpu.memory_space<semaphore_mem>>, %arg26: memref<!tpu.dma_semaphore, #tpu.memory_space<semaphore_mem>>) attributes {dimension_semantics = [#tpu.dimension_semantics<core_parallel>, #tpu.dimension_semantics<subcore_parallel>], iteration_bounds = array<i64: 2, 16>, scalar_prefetch = 0 : i64, scratch_operands = 19 : i64, tpu.core_type = #tpu.core_type<sc_vector_subcore>, window_params = [{transform_indices = #map}, {transform_indices = #map1}, {transform_indices = #map1}, {transform_indices = #map}, {transform_indices = #map}, {transform_indices = #map1}]} {
    "tpu.region"() ({
      %run_scoped3A = tpu.sem_alloc : memref<!tpu.dma_semaphore, #tpu.memory_space<semaphore_mem>>
      %dma_start3A_151 = arith.constant 0 : i32
      %dma_start3A_152 = arith.constant 0 : i32
      %dma_start3A_153 = tpu.memref_slice %arg3[%arg1, %dma_start3A_151, %dma_start3A_152] : memref<16x250x80xi32, #tpu.memory_space<hbm>> -> memref<1x250x80xi32, #tpu.memory_space<hbm>>
      %dma_start3A_154 = tpu.memref_squeeze %dma_start3A_153 : memref<1x250x80xi32, #tpu.memory_space<hbm>> -> memref<250x80xi32, #tpu.memory_space<hbm>>
      %dma_start3A_155 = arith.constant 0 : i32
      %dma_start3A_156 = arith.constant 0 : i32
      %dma_start3A_157 = tpu.memref_slice %arg3[%arg1, %dma_start3A_155, %dma_start3A_156] : memref<16x250x80xi32, #tpu.memory_space<hbm>> -> memref<1x250x80xi32, #tpu.memory_space<hbm>>
      %dma_start3A_158 = tpu.memref_squeeze %dma_start3A_157 : memref<1x250x80xi32, #tpu.memory_space<hbm>> -> memref<250x80xi32, #tpu.memory_space<hbm>>
      tpu.enqueue_dma source(%dma_start3A_158 : memref<250x80xi32, #tpu.memory_space<hbm>>) target(%arg8 : memref<250x80xi32, #tpu.memory_space<vmem>>) target_semaphore(%run_scoped3A : memref<!tpu.dma_semaphore, #tpu.memory_space<semaphore_mem>>)
      %dma_wait3A_159 = arith.constant 0 : i32
      %dma_wait3A_160 = arith.constant 0 : i32
      %dma_wait3A_161 = tpu.memref_slice %arg3[%arg1, %dma_wait3A_159, %dma_wait3A_160] : memref<16x250x80xi32, #tpu.memory_space<hbm>> -> memref<1x250x80xi32, #tpu.memory_space<hbm>>
      %dma_wait3A_162 = tpu.memref_squeeze %dma_wait3A_161 : memref<1x250x80xi32, #tpu.memory_space<hbm>> -> memref<250x80xi32, #tpu.memory_space<hbm>>
      %dma_wait3A_163 = arith.constant 0 : i32
      %dma_wait3A_164 = arith.constant 0 : i32
      %dma_wait3A_165 = tpu.memref_slice %arg3[%arg1, %dma_wait3A_163, %dma_wait3A_164] : memref<16x250x80xi32, #tpu.memory_space<hbm>> -> memref<1x250x80xi32, #tpu.memory_space<hbm>>
      %dma_wait3A_166 = tpu.memref_squeeze %dma_wait3A_165 : memref<1x250x80xi32, #tpu.memory_space<hbm>> -> memref<250x80xi32, #tpu.memory_space<hbm>>
      tpu.wait_dma2 semaphore(%run_scoped3A : memref<!tpu.dma_semaphore, #tpu.memory_space<semaphore_mem>>) src(%dma_wait3A_166 : memref<250x80xi32, #tpu.memory_space<hbm>>) dst(%arg8 : memref<250x80xi32, #tpu.memory_space<vmem>>)
      tpu.yield
    }) : () -> ()
    "tpu.region"() ({
      %run_scoped3A = tpu.sem_alloc : memref<!tpu.dma_semaphore, #tpu.memory_space<semaphore_mem>>
      %dma_start3A_151 = arith.constant 0 : i32
      %dma_start3A_152 = arith.constant 0 : i32
      %dma_start3A_153 = tpu.memref_slice %arg4[%arg1, %dma_start3A_151, %dma_start3A_152] : memref<16x250x80xi32, #tpu.memory_space<hbm>> -> memref<1x250x80xi32, #tpu.memory_space<hbm>>
      %dma_start3A_154 = tpu.memref_squeeze %dma_start3A_153 : memref<1x250x80xi32, #tpu.memory_space<hbm>> -> memref<250x80xi32, #tpu.memory_space<hbm>>
      %dma_start3A_155 = arith.constant 0 : i32
      %dma_start3A_156 = arith.constant 0 : i32
      %dma_start3A_157 = tpu.memref_slice %arg4[%arg1, %dma_start3A_155, %dma_start3A_156] : memref<16x250x80xi32, #tpu.memory_space<hbm>> -> memref<1x250x80xi32, #tpu.memory_space<hbm>>
      %dma_start3A_158 = tpu.memref_squeeze %dma_start3A_157 : memref<1x250x80xi32, #tpu.memory_space<hbm>> -> memref<250x80xi32, #tpu.memory_space<hbm>>
      tpu.enqueue_dma source(%dma_start3A_158 : memref<250x80xi32, #tpu.memory_space<hbm>>) target(%arg9 : memref<250x80xi32, #tpu.memory_space<vmem>>) target_semaphore(%run_scoped3A : memref<!tpu.dma_semaphore, #tpu.memory_space<semaphore_mem>>)
      %dma_wait3A_159 = arith.constant 0 : i32
      %dma_wait3A_160 = arith.constant 0 : i32
      %dma_wait3A_161 = tpu.memref_slice %arg4[%arg1, %dma_wait3A_159, %dma_wait3A_160] : memref<16x250x80xi32, #tpu.memory_space<hbm>> -> memref<1x250x80xi32, #tpu.memory_space<hbm>>
      %dma_wait3A_162 = tpu.memref_squeeze %dma_wait3A_161 : memref<1x250x80xi32, #tpu.memory_space<hbm>> -> memref<250x80xi32, #tpu.memory_space<hbm>>
      %dma_wait3A_163 = arith.constant 0 : i32
      %dma_wait3A_164 = arith.constant 0 : i32
      %dma_wait3A_165 = tpu.memref_slice %arg4[%arg1, %dma_wait3A_163, %dma_wait3A_164] : memref<16x250x80xi32, #tpu.memory_space<hbm>> -> memref<1x250x80xi32, #tpu.memory_space<hbm>>
      %dma_wait3A_166 = tpu.memref_squeeze %dma_wait3A_165 : memref<1x250x80xi32, #tpu.memory_space<hbm>> -> memref<250x80xi32, #tpu.memory_space<hbm>>
      tpu.wait_dma2 semaphore(%run_scoped3A : memref<!tpu.dma_semaphore, #tpu.memory_space<semaphore_mem>>) src(%dma_wait3A_166 : memref<250x80xi32, #tpu.memory_space<hbm>>) dst(%arg9 : memref<250x80xi32, #tpu.memory_space<vmem>>)
      tpu.yield
    }) : () -> ()
    "tpu.region"() ({
      %run_scoped3A = tpu.sem_alloc : memref<!tpu.dma_semaphore, #tpu.memory_space<semaphore_mem>>
      %dma_start3A_151 = arith.constant 0 : i32
      %dma_start3A_152 = tpu.memref_slice %arg5[%arg0, %dma_start3A_151] : memref<2x10000xi32, #tpu.memory_space<hbm>> -> memref<1x10000xi32, #tpu.memory_space<hbm>>
      %dma_start3A_153 = tpu.memref_squeeze %dma_start3A_152 : memref<1x10000xi32, #tpu.memory_space<hbm>> -> memref<10000xi32, #tpu.memory_space<hbm>>
      %dma_start3A_154 = arith.constant 0 : i32
      %dma_start3A_155 = tpu.memref_slice %arg5[%arg0, %dma_start3A_154] : memref<2x10000xi32, #tpu.memory_space<hbm>> -> memref<1x10000xi32, #tpu.memory_space<hbm>>
      %dma_start3A_156 = tpu.memref_squeeze %dma_start3A_155 : memref<1x10000xi32, #tpu.memory_space<hbm>> -> memref<10000xi32, #tpu.memory_space<hbm>>
      tpu.enqueue_dma source(%dma_start3A_156 : memref<10000xi32, #tpu.memory_space<hbm>>) target(%arg10 : memref<10000xi32, #tpu.memory_space<vmem>>) target_semaphore(%run_scoped3A : memref<!tpu.dma_semaphore, #tpu.memory_space<semaphore_mem>>)
      %dma_wait3A_157 = arith.constant 0 : i32
      %dma_wait3A_158 = tpu.memref_slice %arg5[%arg0, %dma_wait3A_157] : memref<2x10000xi32, #tpu.memory_space<hbm>> -> memref<1x10000xi32, #tpu.memory_space<hbm>>
      %dma_wait3A_159 = tpu.memref_squeeze %dma_wait3A_158 : memref<1x10000xi32, #tpu.memory_space<hbm>> -> memref<10000xi32, #tpu.memory_space<hbm>>
      %dma_wait3A_160 = arith.constant 0 : i32
      %dma_wait3A_161 = tpu.memref_slice %arg5[%arg0, %dma_wait3A_160] : memref<2x10000xi32, #tpu.memory_space<hbm>> -> memref<1x10000xi32, #tpu.memory_space<hbm>>
      %dma_wait3A_162 = tpu.memref_squeeze %dma_wait3A_161 : memref<1x10000xi32, #tpu.memory_space<hbm>> -> memref<10000xi32, #tpu.memory_space<hbm>>
      tpu.wait_dma2 semaphore(%run_scoped3A : memref<!tpu.dma_semaphore, #tpu.memory_space<semaphore_mem>>) src(%dma_wait3A_162 : memref<10000xi32, #tpu.memory_space<hbm>>) dst(%arg10 : memref<10000xi32, #tpu.memory_space<vmem>>)
      tpu.yield
    }) : () -> ()
    %scan3A = arith.constant 0 : i32
    %scan3A_0 = arith.constant 0 : i32
    %scan3A_1 = arith.constant 250 : i32
    %scan3A_2 = arith.addi %scan3A_0, %scan3A_1 : i32
    %scan3A_3 = arith.constant 1 : i32
    scf.for %scan3A_151 = %scan3A_0 to %scan3A_2 step %scan3A_3  : i32 {
      %get3A = arith.index_cast %scan3A_151 : i32 to index
      %get3A_152 = arith.constant 0 : index
      %get3A_153 = tpu.vector_load %arg9[%get3A, %get3A_152] {strides = array<i32>} : memref<250x80xi32, #tpu.memory_space<vmem>>, vector<16xi32>,
      %gather3A = tpu.vector_load_idx %arg10[%get3A_153] : memref<10000xi32, #tpu.memory_space<vmem>>[vector<16xi32>], vector<16xi32>,
      %swap3A = arith.index_cast %scan3A_151 : i32 to index
      %swap3A_154 = arith.constant 0 : index
      %swap3A_155 = tpu.vector_load %arg9[%swap3A, %swap3A_154] {strides = array<i32>} : memref<250x80xi32, #tpu.memory_space<vmem>>, vector<16xi32>,
      tpu.vector_store %arg9[%swap3A, %swap3A_154], %gather3A {strides = array<i32>} : memref<250x80xi32, #tpu.memory_space<vmem>>, vector<16xi32>,
      %get3A_156 = arith.index_cast %scan3A_151 : i32 to index
      %get3A_157 = arith.constant 16 : index
      %get3A_158 = tpu.vector_load %arg9[%get3A_156, %get3A_157] {strides = array<i32>} : memref<250x80xi32, #tpu.memory_space<vmem>>, vector<16xi32>,
      %gather3A_159 = tpu.vector_load_idx %arg10[%get3A_158] : memref<10000xi32, #tpu.memory_space<vmem>>[vector<16xi32>], vector<16xi32>,
      %swap3A_160 = arith.index_cast %scan3A_151 : i32 to index
      %swap3A_161 = arith.constant 16 : index
      %swap3A_162 = tpu.vector_load %arg9[%swap3A_160, %swap3A_161] {strides = array<i32>} : memref<250x80xi32, #tpu.memory_space<vmem>>, vector<16xi32>,
      tpu.vector_store %arg9[%swap3A_160, %swap3A_161], %gather3A_159 {strides = array<i32>} : memref<250x80xi32, #tpu.memory_space<vmem>>, vector<16xi32>,
      %get3A_163 = arith.index_cast %scan3A_151 : i32 to index
      %get3A_164 = arith.constant 32 : index
      %get3A_165 = tpu.vector_load %arg9[%get3A_163, %get3A_164] {strides = array<i32>} : memref<250x80xi32, #tpu.memory_space<vmem>>, vector<16xi32>,
      %gather3A_166 = tpu.vector_load_idx %arg10[%get3A_165] : memref<10000xi32, #tpu.memory_space<vmem>>[vector<16xi32>], vector<16xi32>,
      %swap3A_167 = arith.index_cast %scan3A_151 : i32 to index
      %swap3A_168 = arith.constant 32 : index
      %swap3A_169 = tpu.vector_load %arg9[%swap3A_167, %swap3A_168] {strides = array<i32>} : memref<250x80xi32, #tpu.memory_space<vmem>>, vector<16xi32>,
      tpu.vector_store %arg9[%swap3A_167, %swap3A_168], %gather3A_166 {strides = array<i32>} : memref<250x80xi32, #tpu.memory_space<vmem>>, vector<16xi32>,
      %get3A_170 = arith.index_cast %scan3A_151 : i32 to index
      %get3A_171 = arith.constant 48 : index
      %get3A_172 = tpu.vector_load %arg9[%get3A_170, %get3A_171] {strides = array<i32>} : memref<250x80xi32, #tpu.memory_space<vmem>>, vector<16xi32>,
      %gather3A_173 = tpu.vector_load_idx %arg10[%get3A_172] : memref<10000xi32, #tpu.memory_space<vmem>>[vector<16xi32>], vector<16xi32>,
      %swap3A_174 = arith.index_cast %scan3A_151 : i32 to index
      %swap3A_175 = arith.constant 48 : index
      %swap3A_176 = tpu.vector_load %arg9[%swap3A_174, %swap3A_175] {strides = array<i32>} : memref<250x80xi32, #tpu.memory_space<vmem>>, vector<16xi32>,
      tpu.vector_store %arg9[%swap3A_174, %swap3A_175], %gather3A_173 {strides = array<i32>} : memref<250x80xi32, #tpu.memory_space<vmem>>, vector<16xi32>,
      %get3A_177 = arith.index_cast %scan3A_151 : i32 to index
      %get3A_178 = arith.constant 64 : index
      %get3A_179 = tpu.vector_load %arg9[%get3A_177, %get3A_178] {strides = array<i32>} : memref<250x80xi32, #tpu.memory_space<vmem>>, vector<16xi32>,
      %gather3A_180 = tpu.vector_load_idx %arg10[%get3A_179] : memref<10000xi32, #tpu.memory_space<vmem>>[vector<16xi32>], vector<16xi32>,
      %swap3A_181 = arith.index_cast %scan3A_151 : i32 to index
      %swap3A_182 = arith.constant 64 : index
      %swap3A_183 = tpu.vector_load %arg9[%swap3A_181, %swap3A_182] {strides = array<i32>} : memref<250x80xi32, #tpu.memory_space<vmem>>, vector<16xi32>,
      tpu.vector_store %arg9[%swap3A_181, %swap3A_182], %gather3A_180 {strides = array<i32>} : memref<250x80xi32, #tpu.memory_space<vmem>>, vector<16xi32>,
    }
    %scan3A_4 = arith.constant 250 : i32
    %mul3A = arith.constant 640 : i32
    %mul3A_5 = arith.muli %arg1, %mul3A : i32
    %dma_start3A = arith.constant 0 : i32
    %dma_start3A_6 = arith.constant 0 : i32
    %dma_start3A_7 = tpu.memref_slice %arg9[%dma_start3A, %dma_start3A_6] : memref<250x80xi32, #tpu.memory_space<vmem>> -> memref<1x80xi32, #tpu.memory_space<vmem>>
    %dma_start3A_8 = tpu.memref_squeeze %dma_start3A_7 : memref<1x80xi32, #tpu.memory_space<vmem>> -> memref<80xi32, #tpu.memory_space<vmem>>
    %dma_start3A_9 = arith.constant 0 : i32
    %dma_start3A_10 = arith.constant 0 : i32
    %dma_start3A_11 = tpu.memref_slice %arg2[%dma_start3A_9, %dma_start3A_10] : memref<10000x128xbf16, #tpu.memory_space<hbm>> -> memref<10000x128xbf16, #tpu.memory_space<hbm>>
    tpu.enqueue_indirect_dma source(%dma_start3A_11 : memref<10000x128xbf16, #tpu.memory_space<hbm>>) target(%arg11 : memref<80x128xbf16, #tpu.memory_space<vmem>>) offsets(%dma_start3A_8 : memref<80xi32, #tpu.memory_space<vmem>>) semaphore(%arg17 : memref<!tpu.dma_semaphore, #tpu.memory_space<semaphore_mem>>)
    %dma_start3A_12 = arith.constant 1 : i32
    %dma_start3A_13 = arith.constant 0 : i32
    %dma_start3A_14 = tpu.memref_slice %arg9[%dma_start3A_12, %dma_start3A_13] : memref<250x80xi32, #tpu.memory_space<vmem>> -> memref<1x80xi32, #tpu.memory_space<vmem>>
    %dma_start3A_15 = tpu.memref_squeeze %dma_start3A_14 : memref<1x80xi32, #tpu.memory_space<vmem>> -> memref<80xi32, #tpu.memory_space<vmem>>
    %dma_start3A_16 = arith.constant 0 : i32
    %dma_start3A_17 = arith.constant 0 : i32
    %dma_start3A_18 = tpu.memref_slice %arg2[%dma_start3A_16, %dma_start3A_17] : memref<10000x128xbf16, #tpu.memory_space<hbm>> -> memref<10000x128xbf16, #tpu.memory_space<hbm>>
    tpu.enqueue_indirect_dma source(%dma_start3A_18 : memref<10000x128xbf16, #tpu.memory_space<hbm>>) target(%arg12 : memref<80x128xbf16, #tpu.memory_space<vmem>>) offsets(%dma_start3A_15 : memref<80xi32, #tpu.memory_space<vmem>>) semaphore(%arg18 : memref<!tpu.dma_semaphore, #tpu.memory_space<semaphore_mem>>)
    %dma_start3A_19 = arith.constant 2 : i32
    %dma_start3A_20 = arith.constant 0 : i32
    %dma_start3A_21 = tpu.memref_slice %arg9[%dma_start3A_19, %dma_start3A_20] : memref<250x80xi32, #tpu.memory_space<vmem>> -> memref<1x80xi32, #tpu.memory_space<vmem>>
    %dma_start3A_22 = tpu.memref_squeeze %dma_start3A_21 : memref<1x80xi32, #tpu.memory_space<vmem>> -> memref<80xi32, #tpu.memory_space<vmem>>
    %dma_start3A_23 = arith.constant 0 : i32
    %dma_start3A_24 = arith.constant 0 : i32
    %dma_start3A_25 = tpu.memref_slice %arg2[%dma_start3A_23, %dma_start3A_24] : memref<10000x128xbf16, #tpu.memory_space<hbm>> -> memref<10000x128xbf16, #tpu.memory_space<hbm>>
    tpu.enqueue_indirect_dma source(%dma_start3A_25 : memref<10000x128xbf16, #tpu.memory_space<hbm>>) target(%arg13 : memref<80x128xbf16, #tpu.memory_space<vmem>>) offsets(%dma_start3A_22 : memref<80xi32, #tpu.memory_space<vmem>>) semaphore(%arg19 : memref<!tpu.dma_semaphore, #tpu.memory_space<semaphore_mem>>)
    %dma_start3A_26 = arith.constant 3 : i32
    %dma_start3A_27 = arith.constant 0 : i32
    %dma_start3A_28 = tpu.memref_slice %arg9[%dma_start3A_26, %dma_start3A_27] : memref<250x80xi32, #tpu.memory_space<vmem>> -> memref<1x80xi32, #tpu.memory_space<vmem>>
    %dma_start3A_29 = tpu.memref_squeeze %dma_start3A_28 : memref<1x80xi32, #tpu.memory_space<vmem>> -> memref<80xi32, #tpu.memory_space<vmem>>
    %dma_start3A_30 = arith.constant 0 : i32
    %dma_start3A_31 = arith.constant 0 : i32
    %dma_start3A_32 = tpu.memref_slice %arg2[%dma_start3A_30, %dma_start3A_31] : memref<10000x128xbf16, #tpu.memory_space<hbm>> -> memref<10000x128xbf16, #tpu.memory_space<hbm>>
    tpu.enqueue_indirect_dma source(%dma_start3A_32 : memref<10000x128xbf16, #tpu.memory_space<hbm>>) target(%arg14 : memref<80x128xbf16, #tpu.memory_space<vmem>>) offsets(%dma_start3A_29 : memref<80xi32, #tpu.memory_space<vmem>>) semaphore(%arg20 : memref<!tpu.dma_semaphore, #tpu.memory_space<semaphore_mem>>)
    %dma_start3A_33 = arith.constant 4 : i32
    %dma_start3A_34 = arith.constant 0 : i32
    %dma_start3A_35 = tpu.memref_slice %arg9[%dma_start3A_33, %dma_start3A_34] : memref<250x80xi32, #tpu.memory_space<vmem>> -> memref<1x80xi32, #tpu.memory_space<vmem>>
    %dma_start3A_36 = tpu.memref_squeeze %dma_start3A_35 : memref<1x80xi32, #tpu.memory_space<vmem>> -> memref<80xi32, #tpu.memory_space<vmem>>
    %dma_start3A_37 = arith.constant 0 : i32
    %dma_start3A_38 = arith.constant 0 : i32
    %dma_start3A_39 = tpu.memref_slice %arg2[%dma_start3A_37, %dma_start3A_38] : memref<10000x128xbf16, #tpu.memory_space<hbm>> -> memref<10000x128xbf16, #tpu.memory_space<hbm>>
    tpu.enqueue_indirect_dma source(%dma_start3A_39 : memref<10000x128xbf16, #tpu.memory_space<hbm>>) target(%arg15 : memref<80x128xbf16, #tpu.memory_space<vmem>>) offsets(%dma_start3A_36 : memref<80xi32, #tpu.memory_space<vmem>>) semaphore(%arg21 : memref<!tpu.dma_semaphore, #tpu.memory_space<semaphore_mem>>)
    "tpu.region"() ({
      %run_scoped3A = tpu.sem_alloc : memref<!tpu.dma_semaphore, #tpu.memory_space<semaphore_mem>>
      %dma_start3A_151 = arith.constant 0 : i32
      %dma_start3A_152 = tpu.memref_slice %arg16[%mul3A_5, %dma_start3A_151] : memref<10240x128xbf16, #tpu.memory_space<vmem_shared>> -> memref<640x128xbf16, #tpu.memory_space<vmem_shared>>
      tpu.enqueue_dma source(%arg6 : memref<640x128xbf16, #tpu.memory_space<hbm>>) target(%dma_start3A_152 : memref<640x128xbf16, #tpu.memory_space<vmem_shared>>) target_semaphore(%run_scoped3A : memref<!tpu.dma_semaphore, #tpu.memory_space<semaphore_mem>>)
      %dma_wait3A_153 = arith.constant 0 : i32
      %dma_wait3A_154 = tpu.memref_slice %arg16[%mul3A_5, %dma_wait3A_153] : memref<10240x128xbf16, #tpu.memory_space<vmem_shared>> -> memref<640x128xbf16, #tpu.memory_space<vmem_shared>>
      tpu.wait_dma2 semaphore(%run_scoped3A : memref<!tpu.dma_semaphore, #tpu.memory_space<semaphore_mem>>) src(%arg6 : memref<640x128xbf16, #tpu.memory_space<hbm>>) dst(%dma_wait3A_154 : memref<640x128xbf16, #tpu.memory_space<vmem_shared>>)
      tpu.yield
    }) : () -> ()
    %barrier3A = arith.constant 0 : index
    tpu.barrier barrier_id(%barrier3A)
    %scan3A_40 = arith.constant 0 : i32
    %scan3A_41 = arith.constant 0 : i32
    %scan3A_42 = arith.constant 49 : i32
    %scan3A_43 = arith.addi %scan3A_41, %scan3A_42 : i32
    %scan3A_44 = arith.constant 1 : i32
    scf.for %scan3A_151 = %scan3A_41 to %scan3A_43 step %scan3A_44  : i32 {
      %mul3A_152 = arith.constant 5 : i32
      %mul3A_153 = arith.muli %scan3A_151, %mul3A_152 : i32
      %add3A = arith.constant 0 : i32
      %add3A_154 = arith.addi %mul3A_153, %add3A : i32
      %dma_wait3A_155 = arith.constant 0 : i32
      %dma_wait3A_156 = arith.constant 0 : i32
      %dma_wait3A_157 = tpu.memref_slice %arg9[%dma_wait3A_155, %dma_wait3A_156] : memref<250x80xi32, #tpu.memory_space<vmem>> -> memref<1x80xi32, #tpu.memory_space<vmem>>
      %dma_wait3A_158 = tpu.memref_squeeze %dma_wait3A_157 : memref<1x80xi32, #tpu.memory_space<vmem>> -> memref<80xi32, #tpu.memory_space<vmem>>
      %dma_wait3A_159 = arith.constant 0 : i32
      %dma_wait3A_160 = arith.constant 0 : i32
      %dma_wait3A_161 = tpu.memref_slice %arg2[%dma_wait3A_159, %dma_wait3A_160] : memref<10000x128xbf16, #tpu.memory_space<hbm>> -> memref<10000x128xbf16, #tpu.memory_space<hbm>>
      tpu.wait_indirect_dma semaphore(%arg17 : memref<!tpu.dma_semaphore, #tpu.memory_space<semaphore_mem>>) src(%dma_wait3A_161 : memref<10000x128xbf16, #tpu.memory_space<hbm>>) dst(%arg11 : memref<80x128xbf16, #tpu.memory_space<vmem>>)
      %dma_start3A_162 = arith.constant 0 : i32
      %dma_start3A_163 = tpu.memref_slice %arg8[%add3A_154, %dma_start3A_162] : memref<250x80xi32, #tpu.memory_space<vmem>> -> memref<1x80xi32, #tpu.memory_space<vmem>>
      %dma_start3A_164 = tpu.memref_squeeze %dma_start3A_163 : memref<1x80xi32, #tpu.memory_space<vmem>> -> memref<80xi32, #tpu.memory_space<vmem>>
      %dma_start3A_165 = arith.constant 0 : i32
      %dma_start3A_166 = arith.constant 0 : i32
      %dma_start3A_167 = tpu.memref_slice %arg16[%dma_start3A_165, %dma_start3A_166] : memref<10240x128xbf16, #tpu.memory_space<vmem_shared>> -> memref<10240x128xbf16, #tpu.memory_space<vmem_shared>>
      tpu.enqueue_indirect_dma source(%arg11 : memref<80x128xbf16, #tpu.memory_space<vmem>>) target(%dma_start3A_167 : memref<10240x128xbf16, #tpu.memory_space<vmem_shared>>) offsets(%dma_start3A_164 : memref<80xi32, #tpu.memory_space<vmem>>) semaphore(%arg22 : memref<!tpu.dma_semaphore, #tpu.memory_space<semaphore_mem>>) {add = true}
      %dma_wait3A_168 = arith.constant 0 : i32
      %dma_wait3A_169 = arith.constant 0 : i32
      %dma_wait3A_170 = tpu.memref_slice %arg8[%dma_wait3A_168, %dma_wait3A_169] : memref<250x80xi32, #tpu.memory_space<vmem>> -> memref<1x80xi32, #tpu.memory_space<vmem>>
      %dma_wait3A_171 = tpu.memref_squeeze %dma_wait3A_170 : memref<1x80xi32, #tpu.memory_space<vmem>> -> memref<80xi32, #tpu.memory_space<vmem>>
      %dma_wait3A_172 = arith.constant 0 : i32
      %dma_wait3A_173 = arith.constant 0 : i32
      %dma_wait3A_174 = tpu.memref_slice %arg16[%dma_wait3A_172, %dma_wait3A_173] : memref<10240x128xbf16, #tpu.memory_space<vmem_shared>> -> memref<10240x128xbf16, #tpu.memory_space<vmem_shared>>
      tpu.wait_indirect_dma semaphore(%arg22 : memref<!tpu.dma_semaphore, #tpu.memory_space<semaphore_mem>>) src(%arg11 : memref<80x128xbf16, #tpu.memory_space<vmem>>) dst(%dma_wait3A_174 : memref<10240x128xbf16, #tpu.memory_space<vmem_shared>>)
      %add3A_175 = arith.constant 5 : i32
      %add3A_176 = arith.addi %add3A_154, %add3A_175 : i32
      %dma_start3A_177 = arith.constant 0 : i32
      %dma_start3A_178 = tpu.memref_slice %arg9[%add3A_176, %dma_start3A_177] : memref<250x80xi32, #tpu.memory_space<vmem>> -> memref<1x80xi32, #tpu.memory_space<vmem>>
      %dma_start3A_179 = tpu.memref_squeeze %dma_start3A_178 : memref<1x80xi32, #tpu.memory_space<vmem>> -> memref<80xi32, #tpu.memory_space<vmem>>
      %dma_start3A_180 = arith.constant 0 : i32
      %dma_start3A_181 = arith.constant 0 : i32
      %dma_start3A_182 = tpu.memref_slice %arg2[%dma_start3A_180, %dma_start3A_181] : memref<10000x128xbf16, #tpu.memory_space<hbm>> -> memref<10000x128xbf16, #tpu.memory_space<hbm>>
      tpu.enqueue_indirect_dma source(%dma_start3A_182 : memref<10000x128xbf16, #tpu.memory_space<hbm>>) target(%arg11 : memref<80x128xbf16, #tpu.memory_space<vmem>>) offsets(%dma_start3A_179 : memref<80xi32, #tpu.memory_space<vmem>>) semaphore(%arg17 : memref<!tpu.dma_semaphore, #tpu.memory_space<semaphore_mem>>)
      %add3A_183 = arith.constant 1 : i32
      %add3A_184 = arith.addi %mul3A_153, %add3A_183 : i32
      %dma_wait3A_185 = arith.constant 0 : i32
      %dma_wait3A_186 = arith.constant 0 : i32
      %dma_wait3A_187 = tpu.memref_slice %arg9[%dma_wait3A_185, %dma_wait3A_186] : memref<250x80xi32, #tpu.memory_space<vmem>> -> memref<1x80xi32, #tpu.memory_space<vmem>>
      %dma_wait3A_188 = tpu.memref_squeeze %dma_wait3A_187 : memref<1x80xi32, #tpu.memory_space<vmem>> -> memref<80xi32, #tpu.memory_space<vmem>>
      %dma_wait3A_189 = arith.constant 0 : i32
      %dma_wait3A_190 = arith.constant 0 : i32
      %dma_wait3A_191 = tpu.memref_slice %arg2[%dma_wait3A_189, %dma_wait3A_190] : memref<10000x128xbf16, #tpu.memory_space<hbm>> -> memref<10000x128xbf16, #tpu.memory_space<hbm>>
      tpu.wait_indirect_dma semaphore(%arg18 : memref<!tpu.dma_semaphore, #tpu.memory_space<semaphore_mem>>) src(%dma_wait3A_191 : memref<10000x128xbf16, #tpu.memory_space<hbm>>) dst(%arg12 : memref<80x128xbf16, #tpu.memory_space<vmem>>)
      %dma_start3A_192 = arith.constant 0 : i32
      %dma_start3A_193 = tpu.memref_slice %arg8[%add3A_184, %dma_start3A_192] : memref<250x80xi32, #tpu.memory_space<vmem>> -> memref<1x80xi32, #tpu.memory_space<vmem>>
      %dma_start3A_194 = tpu.memref_squeeze %dma_start3A_193 : memref<1x80xi32, #tpu.memory_space<vmem>> -> memref<80xi32, #tpu.memory_space<vmem>>
      %dma_start3A_195 = arith.constant 0 : i32
      %dma_start3A_196 = arith.constant 0 : i32
      %dma_start3A_197 = tpu.memref_slice %arg16[%dma_start3A_195, %dma_start3A_196] : memref<10240x128xbf16, #tpu.memory_space<vmem_shared>> -> memref<10240x128xbf16, #tpu.memory_space<vmem_shared>>
      tpu.enqueue_indirect_dma source(%arg12 : memref<80x128xbf16, #tpu.memory_space<vmem>>) target(%dma_start3A_197 : memref<10240x128xbf16, #tpu.memory_space<vmem_shared>>) offsets(%dma_start3A_194 : memref<80xi32, #tpu.memory_space<vmem>>) semaphore(%arg23 : memref<!tpu.dma_semaphore, #tpu.memory_space<semaphore_mem>>) {add = true}
      %dma_wait3A_198 = arith.constant 0 : i32
      %dma_wait3A_199 = arith.constant 0 : i32
      %dma_wait3A_200 = tpu.memref_slice %arg8[%dma_wait3A_198, %dma_wait3A_199] : memref<250x80xi32, #tpu.memory_space<vmem>> -> memref<1x80xi32, #tpu.memory_space<vmem>>
      %dma_wait3A_201 = tpu.memref_squeeze %dma_wait3A_200 : memref<1x80xi32, #tpu.memory_space<vmem>> -> memref<80xi32, #tpu.memory_space<vmem>>
      %dma_wait3A_202 = arith.constant 0 : i32
      %dma_wait3A_203 = arith.constant 0 : i32
      %dma_wait3A_204 = tpu.memref_slice %arg16[%dma_wait3A_202, %dma_wait3A_203] : memref<10240x128xbf16, #tpu.memory_space<vmem_shared>> -> memref<10240x128xbf16, #tpu.memory_space<vmem_shared>>
      tpu.wait_indirect_dma semaphore(%arg23 : memref<!tpu.dma_semaphore, #tpu.memory_space<semaphore_mem>>) src(%arg12 : memref<80x128xbf16, #tpu.memory_space<vmem>>) dst(%dma_wait3A_204 : memref<10240x128xbf16, #tpu.memory_space<vmem_shared>>)
      %add3A_205 = arith.constant 5 : i32
      %add3A_206 = arith.addi %add3A_184, %add3A_205 : i32
      %dma_start3A_207 = arith.constant 0 : i32
      %dma_start3A_208 = tpu.memref_slice %arg9[%add3A_206, %dma_start3A_207] : memref<250x80xi32, #tpu.memory_space<vmem>> -> memref<1x80xi32, #tpu.memory_space<vmem>>
      %dma_start3A_209 = tpu.memref_squeeze %dma_start3A_208 : memref<1x80xi32, #tpu.memory_space<vmem>> -> memref<80xi32, #tpu.memory_space<vmem>>
      %dma_start3A_210 = arith.constant 0 : i32
      %dma_start3A_211 = arith.constant 0 : i32
      %dma_start3A_212 = tpu.memref_slice %arg2[%dma_start3A_210, %dma_start3A_211] : memref<10000x128xbf16, #tpu.memory_space<hbm>> -> memref<10000x128xbf16, #tpu.memory_space<hbm>>
      tpu.enqueue_indirect_dma source(%dma_start3A_212 : memref<10000x128xbf16, #tpu.memory_space<hbm>>) target(%arg12 : memref<80x128xbf16, #tpu.memory_space<vmem>>) offsets(%dma_start3A_209 : memref<80xi32, #tpu.memory_space<vmem>>) semaphore(%arg18 : memref<!tpu.dma_semaphore, #tpu.memory_space<semaphore_mem>>)
      %add3A_213 = arith.constant 2 : i32
      %add3A_214 = arith.addi %mul3A_153, %add3A_213 : i32
      %dma_wait3A_215 = arith.constant 0 : i32
      %dma_wait3A_216 = arith.constant 0 : i32
      %dma_wait3A_217 = tpu.memref_slice %arg9[%dma_wait3A_215, %dma_wait3A_216] : memref<250x80xi32, #tpu.memory_space<vmem>> -> memref<1x80xi32, #tpu.memory_space<vmem>>
      %dma_wait3A_218 = tpu.memref_squeeze %dma_wait3A_217 : memref<1x80xi32, #tpu.memory_space<vmem>> -> memref<80xi32, #tpu.memory_space<vmem>>
      %dma_wait3A_219 = arith.constant 0 : i32
      %dma_wait3A_220 = arith.constant 0 : i32
      %dma_wait3A_221 = tpu.memref_slice %arg2[%dma_wait3A_219, %dma_wait3A_220] : memref<10000x128xbf16, #tpu.memory_space<hbm>> -> memref<10000x128xbf16, #tpu.memory_space<hbm>>
      tpu.wait_indirect_dma semaphore(%arg19 : memref<!tpu.dma_semaphore, #tpu.memory_space<semaphore_mem>>) src(%dma_wait3A_221 : memref<10000x128xbf16, #tpu.memory_space<hbm>>) dst(%arg13 : memref<80x128xbf16, #tpu.memory_space<vmem>>)
      %dma_start3A_222 = arith.constant 0 : i32
      %dma_start3A_223 = tpu.memref_slice %arg8[%add3A_214, %dma_start3A_222] : memref<250x80xi32, #tpu.memory_space<vmem>> -> memref<1x80xi32, #tpu.memory_space<vmem>>
      %dma_start3A_224 = tpu.memref_squeeze %dma_start3A_223 : memref<1x80xi32, #tpu.memory_space<vmem>> -> memref<80xi32, #tpu.memory_space<vmem>>
      %dma_start3A_225 = arith.constant 0 : i32
      %dma_start3A_226 = arith.constant 0 : i32
      %dma_start3A_227 = tpu.memref_slice %arg16[%dma_start3A_225, %dma_start3A_226] : memref<10240x128xbf16, #tpu.memory_space<vmem_shared>> -> memref<10240x128xbf16, #tpu.memory_space<vmem_shared>>
      tpu.enqueue_indirect_dma source(%arg13 : memref<80x128xbf16, #tpu.memory_space<vmem>>) target(%dma_start3A_227 : memref<10240x128xbf16, #tpu.memory_space<vmem_shared>>) offsets(%dma_start3A_224 : memref<80xi32, #tpu.memory_space<vmem>>) semaphore(%arg24 : memref<!tpu.dma_semaphore, #tpu.memory_space<semaphore_mem>>) {add = true}
      %dma_wait3A_228 = arith.constant 0 : i32
      %dma_wait3A_229 = arith.constant 0 : i32
      %dma_wait3A_230 = tpu.memref_slice %arg8[%dma_wait3A_228, %dma_wait3A_229] : memref<250x80xi32, #tpu.memory_space<vmem>> -> memref<1x80xi32, #tpu.memory_space<vmem>>
      %dma_wait3A_231 = tpu.memref_squeeze %dma_wait3A_230 : memref<1x80xi32, #tpu.memory_space<vmem>> -> memref<80xi32, #tpu.memory_space<vmem>>
      %dma_wait3A_232 = arith.constant 0 : i32
      %dma_wait3A_233 = arith.constant 0 : i32
      %dma_wait3A_234 = tpu.memref_slice %arg16[%dma_wait3A_232, %dma_wait3A_233] : memref<10240x128xbf16, #tpu.memory_space<vmem_shared>> -> memref<10240x128xbf16, #tpu.memory_space<vmem_shared>>
      tpu.wait_indirect_dma semaphore(%arg24 : memref<!tpu.dma_semaphore, #tpu.memory_space<semaphore_mem>>) src(%arg13 : memref<80x128xbf16, #tpu.memory_space<vmem>>) dst(%dma_wait3A_234 : memref<10240x128xbf16, #tpu.memory_space<vmem_shared>>)
      %add3A_235 = arith.constant 5 : i32
      %add3A_236 = arith.addi %add3A_214, %add3A_235 : i32
      %dma_start3A_237 = arith.constant 0 : i32
      %dma_start3A_238 = tpu.memref_slice %arg9[%add3A_236, %dma_start3A_237] : memref<250x80xi32, #tpu.memory_space<vmem>> -> memref<1x80xi32, #tpu.memory_space<vmem>>
      %dma_start3A_239 = tpu.memref_squeeze %dma_start3A_238 : memref<1x80xi32, #tpu.memory_space<vmem>> -> memref<80xi32, #tpu.memory_space<vmem>>
      %dma_start3A_240 = arith.constant 0 : i32
      %dma_start3A_241 = arith.constant 0 : i32
      %dma_start3A_242 = tpu.memref_slice %arg2[%dma_start3A_240, %dma_start3A_241] : memref<10000x128xbf16, #tpu.memory_space<hbm>> -> memref<10000x128xbf16, #tpu.memory_space<hbm>>
      tpu.enqueue_indirect_dma source(%dma_start3A_242 : memref<10000x128xbf16, #tpu.memory_space<hbm>>) target(%arg13 : memref<80x128xbf16, #tpu.memory_space<vmem>>) offsets(%dma_start3A_239 : memref<80xi32, #tpu.memory_space<vmem>>) semaphore(%arg19 : memref<!tpu.dma_semaphore, #tpu.memory_space<semaphore_mem>>)
      %add3A_243 = arith.constant 3 : i32
      %add3A_244 = arith.addi %mul3A_153, %add3A_243 : i32
      %dma_wait3A_245 = arith.constant 0 : i32
      %dma_wait3A_246 = arith.constant 0 : i32
      %dma_wait3A_247 = tpu.memref_slice %arg9[%dma_wait3A_245, %dma_wait3A_246] : memref<250x80xi32, #tpu.memory_space<vmem>> -> memref<1x80xi32, #tpu.memory_space<vmem>>
      %dma_wait3A_248 = tpu.memref_squeeze %dma_wait3A_247 : memref<1x80xi32, #tpu.memory_space<vmem>> -> memref<80xi32, #tpu.memory_space<vmem>>
      %dma_wait3A_249 = arith.constant 0 : i32
      %dma_wait3A_250 = arith.constant 0 : i32
      %dma_wait3A_251 = tpu.memref_slice %arg2[%dma_wait3A_249, %dma_wait3A_250] : memref<10000x128xbf16, #tpu.memory_space<hbm>> -> memref<10000x128xbf16, #tpu.memory_space<hbm>>
      tpu.wait_indirect_dma semaphore(%arg20 : memref<!tpu.dma_semaphore, #tpu.memory_space<semaphore_mem>>) src(%dma_wait3A_251 : memref<10000x128xbf16, #tpu.memory_space<hbm>>) dst(%arg14 : memref<80x128xbf16, #tpu.memory_space<vmem>>)
      %dma_start3A_252 = arith.constant 0 : i32
      %dma_start3A_253 = tpu.memref_slice %arg8[%add3A_244, %dma_start3A_252] : memref<250x80xi32, #tpu.memory_space<vmem>> -> memref<1x80xi32, #tpu.memory_space<vmem>>
      %dma_start3A_254 = tpu.memref_squeeze %dma_start3A_253 : memref<1x80xi32, #tpu.memory_space<vmem>> -> memref<80xi32, #tpu.memory_space<vmem>>
      %dma_start3A_255 = arith.constant 0 : i32
      %dma_start3A_256 = arith.constant 0 : i32
      %dma_start3A_257 = tpu.memref_slice %arg16[%dma_start3A_255, %dma_start3A_256] : memref<10240x128xbf16, #tpu.memory_space<vmem_shared>> -> memref<10240x128xbf16, #tpu.memory_space<vmem_shared>>
      tpu.enqueue_indirect_dma source(%arg14 : memref<80x128xbf16, #tpu.memory_space<vmem>>) target(%dma_start3A_257 : memref<10240x128xbf16, #tpu.memory_space<vmem_shared>>) offsets(%dma_start3A_254 : memref<80xi32, #tpu.memory_space<vmem>>) semaphore(%arg25 : memref<!tpu.dma_semaphore, #tpu.memory_space<semaphore_mem>>) {add = true}
      %dma_wait3A_258 = arith.constant 0 : i32
      %dma_wait3A_259 = arith.constant 0 : i32
      %dma_wait3A_260 = tpu.memref_slice %arg8[%dma_wait3A_258, %dma_wait3A_259] : memref<250x80xi32, #tpu.memory_space<vmem>> -> memref<1x80xi32, #tpu.memory_space<vmem>>
      %dma_wait3A_261 = tpu.memref_squeeze %dma_wait3A_260 : memref<1x80xi32, #tpu.memory_space<vmem>> -> memref<80xi32, #tpu.memory_space<vmem>>
      %dma_wait3A_262 = arith.constant 0 : i32
      %dma_wait3A_263 = arith.constant 0 : i32
      %dma_wait3A_264 = tpu.memref_slice %arg16[%dma_wait3A_262, %dma_wait3A_263] : memref<10240x128xbf16, #tpu.memory_space<vmem_shared>> -> memref<10240x128xbf16, #tpu.memory_space<vmem_shared>>
      tpu.wait_indirect_dma semaphore(%arg25 : memref<!tpu.dma_semaphore, #tpu.memory_space<semaphore_mem>>) src(%arg14 : memref<80x128xbf16, #tpu.memory_space<vmem>>) dst(%dma_wait3A_264 : memref<10240x128xbf16, #tpu.memory_space<vmem_shared>>)
      %add3A_265 = arith.constant 5 : i32
      %add3A_266 = arith.addi %add3A_244, %add3A_265 : i32
      %dma_start3A_267 = arith.constant 0 : i32
      %dma_start3A_268 = tpu.memref_slice %arg9[%add3A_266, %dma_start3A_267] : memref<250x80xi32, #tpu.memory_space<vmem>> -> memref<1x80xi32, #tpu.memory_space<vmem>>
      %dma_start3A_269 = tpu.memref_squeeze %dma_start3A_268 : memref<1x80xi32, #tpu.memory_space<vmem>> -> memref<80xi32, #tpu.memory_space<vmem>>
      %dma_start3A_270 = arith.constant 0 : i32
      %dma_start3A_271 = arith.constant 0 : i32
      %dma_start3A_272 = tpu.memref_slice %arg2[%dma_start3A_270, %dma_start3A_271] : memref<10000x128xbf16, #tpu.memory_space<hbm>> -> memref<10000x128xbf16, #tpu.memory_space<hbm>>
      tpu.enqueue_indirect_dma source(%dma_start3A_272 : memref<10000x128xbf16, #tpu.memory_space<hbm>>) target(%arg14 : memref<80x128xbf16, #tpu.memory_space<vmem>>) offsets(%dma_start3A_269 : memref<80xi32, #tpu.memory_space<vmem>>) semaphore(%arg20 : memref<!tpu.dma_semaphore, #tpu.memory_space<semaphore_mem>>)
      %add3A_273 = arith.constant 4 : i32
      %add3A_274 = arith.addi %mul3A_153, %add3A_273 : i32
      %dma_wait3A_275 = arith.constant 0 : i32
      %dma_wait3A_276 = arith.constant 0 : i32
      %dma_wait3A_277 = tpu.memref_slice %arg9[%dma_wait3A_275, %dma_wait3A_276] : memref<250x80xi32, #tpu.memory_space<vmem>> -> memref<1x80xi32, #tpu.memory_space<vmem>>
      %dma_wait3A_278 = tpu.memref_squeeze %dma_wait3A_277 : memref<1x80xi32, #tpu.memory_space<vmem>> -> memref<80xi32, #tpu.memory_space<vmem>>
      %dma_wait3A_279 = arith.constant 0 : i32
      %dma_wait3A_280 = arith.constant 0 : i32
      %dma_wait3A_281 = tpu.memref_slice %arg2[%dma_wait3A_279, %dma_wait3A_280] : memref<10000x128xbf16, #tpu.memory_space<hbm>> -> memref<10000x128xbf16, #tpu.memory_space<hbm>>
      tpu.wait_indirect_dma semaphore(%arg21 : memref<!tpu.dma_semaphore, #tpu.memory_space<semaphore_mem>>) src(%dma_wait3A_281 : memref<10000x128xbf16, #tpu.memory_space<hbm>>) dst(%arg15 : memref<80x128xbf16, #tpu.memory_space<vmem>>)
      %dma_start3A_282 = arith.constant 0 : i32
      %dma_start3A_283 = tpu.memref_slice %arg8[%add3A_274, %dma_start3A_282] : memref<250x80xi32, #tpu.memory_space<vmem>> -> memref<1x80xi32, #tpu.memory_space<vmem>>
      %dma_start3A_284 = tpu.memref_squeeze %dma_start3A_283 : memref<1x80xi32, #tpu.memory_space<vmem>> -> memref<80xi32, #tpu.memory_space<vmem>>
      %dma_start3A_285 = arith.constant 0 : i32
      %dma_start3A_286 = arith.constant 0 : i32
      %dma_start3A_287 = tpu.memref_slice %arg16[%dma_start3A_285, %dma_start3A_286] : memref<10240x128xbf16, #tpu.memory_space<vmem_shared>> -> memref<10240x128xbf16, #tpu.memory_space<vmem_shared>>
      tpu.enqueue_indirect_dma source(%arg15 : memref<80x128xbf16, #tpu.memory_space<vmem>>) target(%dma_start3A_287 : memref<10240x128xbf16, #tpu.memory_space<vmem_shared>>) offsets(%dma_start3A_284 : memref<80xi32, #tpu.memory_space<vmem>>) semaphore(%arg26 : memref<!tpu.dma_semaphore, #tpu.memory_space<semaphore_mem>>) {add = true}
      %dma_wait3A_288 = arith.constant 0 : i32
      %dma_wait3A_289 = arith.constant 0 : i32
      %dma_wait3A_290 = tpu.memref_slice %arg8[%dma_wait3A_288, %dma_wait3A_289] : memref<250x80xi32, #tpu.memory_space<vmem>> -> memref<1x80xi32, #tpu.memory_space<vmem>>
      %dma_wait3A_291 = tpu.memref_squeeze %dma_wait3A_290 : memref<1x80xi32, #tpu.memory_space<vmem>> -> memref<80xi32, #tpu.memory_space<vmem>>
      %dma_wait3A_292 = arith.constant 0 : i32
      %dma_wait3A_293 = arith.constant 0 : i32
      %dma_wait3A_294 = tpu.memref_slice %arg16[%dma_wait3A_292, %dma_wait3A_293] : memref<10240x128xbf16, #tpu.memory_space<vmem_shared>> -> memref<10240x128xbf16, #tpu.memory_space<vmem_shared>>
      tpu.wait_indirect_dma semaphore(%arg26 : memref<!tpu.dma_semaphore, #tpu.memory_space<semaphore_mem>>) src(%arg15 : memref<80x128xbf16, #tpu.memory_space<vmem>>) dst(%dma_wait3A_294 : memref<10240x128xbf16, #tpu.memory_space<vmem_shared>>)
      %add3A_295 = arith.constant 5 : i32
      %add3A_296 = arith.addi %add3A_274, %add3A_295 : i32
      %dma_start3A_297 = arith.constant 0 : i32
      %dma_start3A_298 = tpu.memref_slice %arg9[%add3A_296, %dma_start3A_297] : memref<250x80xi32, #tpu.memory_space<vmem>> -> memref<1x80xi32, #tpu.memory_space<vmem>>
      %dma_start3A_299 = tpu.memref_squeeze %dma_start3A_298 : memref<1x80xi32, #tpu.memory_space<vmem>> -> memref<80xi32, #tpu.memory_space<vmem>>
      %dma_start3A_300 = arith.constant 0 : i32
      %dma_start3A_301 = arith.constant 0 : i32
      %dma_start3A_302 = tpu.memref_slice %arg2[%dma_start3A_300, %dma_start3A_301] : memref<10000x128xbf16, #tpu.memory_space<hbm>> -> memref<10000x128xbf16, #tpu.memory_space<hbm>>
      tpu.enqueue_indirect_dma source(%dma_start3A_302 : memref<10000x128xbf16, #tpu.memory_space<hbm>>) target(%arg15 : memref<80x128xbf16, #tpu.memory_space<vmem>>) offsets(%dma_start3A_299 : memref<80xi32, #tpu.memory_space<vmem>>) semaphore(%arg21 : memref<!tpu.dma_semaphore, #tpu.memory_space<semaphore_mem>>)
    }
    %scan3A_45 = arith.constant 49 : i32
    %dma_wait3A = arith.constant 0 : i32
    %dma_wait3A_46 = arith.constant 0 : i32
    %dma_wait3A_47 = tpu.memref_slice %arg9[%dma_wait3A, %dma_wait3A_46] : memref<250x80xi32, #tpu.memory_space<vmem>> -> memref<1x80xi32, #tpu.memory_space<vmem>>
    %dma_wait3A_48 = tpu.memref_squeeze %dma_wait3A_47 : memref<1x80xi32, #tpu.memory_space<vmem>> -> memref<80xi32, #tpu.memory_space<vmem>>
    %dma_wait3A_49 = arith.constant 0 : i32
    %dma_wait3A_50 = arith.constant 0 : i32
    %dma_wait3A_51 = tpu.memref_slice %arg2[%dma_wait3A_49, %dma_wait3A_50] : memref<10000x128xbf16, #tpu.memory_space<hbm>> -> memref<10000x128xbf16, #tpu.memory_space<hbm>>
    tpu.wait_indirect_dma semaphore(%arg17 : memref<!tpu.dma_semaphore, #tpu.memory_space<semaphore_mem>>) src(%dma_wait3A_51 : memref<10000x128xbf16, #tpu.memory_space<hbm>>) dst(%arg11 : memref<80x128xbf16, #tpu.memory_space<vmem>>)
    %dma_start3A_52 = arith.constant 245 : i32
    %dma_start3A_53 = arith.constant 0 : i32
    %dma_start3A_54 = tpu.memref_slice %arg8[%dma_start3A_52, %dma_start3A_53] : memref<250x80xi32, #tpu.memory_space<vmem>> -> memref<1x80xi32, #tpu.memory_space<vmem>>
    %dma_start3A_55 = tpu.memref_squeeze %dma_start3A_54 : memref<1x80xi32, #tpu.memory_space<vmem>> -> memref<80xi32, #tpu.memory_space<vmem>>
    %dma_start3A_56 = arith.constant 0 : i32
    %dma_start3A_57 = arith.constant 0 : i32
    %dma_start3A_58 = tpu.memref_slice %arg16[%dma_start3A_56, %dma_start3A_57] : memref<10240x128xbf16, #tpu.memory_space<vmem_shared>> -> memref<10240x128xbf16, #tpu.memory_space<vmem_shared>>
    tpu.enqueue_indirect_dma source(%arg11 : memref<80x128xbf16, #tpu.memory_space<vmem>>) target(%dma_start3A_58 : memref<10240x128xbf16, #tpu.memory_space<vmem_shared>>) offsets(%dma_start3A_55 : memref<80xi32, #tpu.memory_space<vmem>>) semaphore(%arg22 : memref<!tpu.dma_semaphore, #tpu.memory_space<semaphore_mem>>) {add = true}
    %dma_wait3A_59 = arith.constant 0 : i32
    %dma_wait3A_60 = arith.constant 0 : i32
    %dma_wait3A_61 = tpu.memref_slice %arg8[%dma_wait3A_59, %dma_wait3A_60] : memref<250x80xi32, #tpu.memory_space<vmem>> -> memref<1x80xi32, #tpu.memory_space<vmem>>
    %dma_wait3A_62 = tpu.memref_squeeze %dma_wait3A_61 : memref<1x80xi32, #tpu.memory_space<vmem>> -> memref<80xi32, #tpu.memory_space<vmem>>
    %dma_wait3A_63 = arith.constant 0 : i32
    %dma_wait3A_64 = arith.constant 0 : i32
    %dma_wait3A_65 = tpu.memref_slice %arg16[%dma_wait3A_63, %dma_wait3A_64] : memref<10240x128xbf16, #tpu.memory_space<vmem_shared>> -> memref<10240x128xbf16, #tpu.memory_space<vmem_shared>>
    tpu.wait_indirect_dma semaphore(%arg22 : memref<!tpu.dma_semaphore, #tpu.memory_space<semaphore_mem>>) src(%arg11 : memref<80x128xbf16, #tpu.memory_space<vmem>>) dst(%dma_wait3A_65 : memref<10240x128xbf16, #tpu.memory_space<vmem_shared>>)
    %dma_wait3A_66 = arith.constant 0 : i32
    %dma_wait3A_67 = arith.constant 0 : i32
    %dma_wait3A_68 = tpu.memref_slice %arg9[%dma_wait3A_66, %dma_wait3A_67] : memref<250x80xi32, #tpu.memory_space<vmem>> -> memref<1x80xi32, #tpu.memory_space<vmem>>
    %dma_wait3A_69 = tpu.memref_squeeze %dma_wait3A_68 : memref<1x80xi32, #tpu.memory_space<vmem>> -> memref<80xi32, #tpu.memory_space<vmem>>
    %dma_wait3A_70 = arith.constant 0 : i32
    %dma_wait3A_71 = arith.constant 0 : i32
    %dma_wait3A_72 = tpu.memref_slice %arg2[%dma_wait3A_70, %dma_wait3A_71] : memref<10000x128xbf16, #tpu.memory_space<hbm>> -> memref<10000x128xbf16, #tpu.memory_space<hbm>>
    tpu.wait_indirect_dma semaphore(%arg18 : memref<!tpu.dma_semaphore, #tpu.memory_space<semaphore_mem>>) src(%dma_wait3A_72 : memref<10000x128xbf16, #tpu.memory_space<hbm>>) dst(%arg12 : memref<80x128xbf16, #tpu.memory_space<vmem>>)
    %dma_start3A_73 = arith.constant 246 : i32
    %dma_start3A_74 = arith.constant 0 : i32
    %dma_start3A_75 = tpu.memref_slice %arg8[%dma_start3A_73, %dma_start3A_74] : memref<250x80xi32, #tpu.memory_space<vmem>> -> memref<1x80xi32, #tpu.memory_space<vmem>>
    %dma_start3A_76 = tpu.memref_squeeze %dma_start3A_75 : memref<1x80xi32, #tpu.memory_space<vmem>> -> memref<80xi32, #tpu.memory_space<vmem>>
    %dma_start3A_77 = arith.constant 0 : i32
    %dma_start3A_78 = arith.constant 0 : i32
    %dma_start3A_79 = tpu.memref_slice %arg16[%dma_start3A_77, %dma_start3A_78] : memref<10240x128xbf16, #tpu.memory_space<vmem_shared>> -> memref<10240x128xbf16, #tpu.memory_space<vmem_shared>>
    tpu.enqueue_indirect_dma source(%arg12 : memref<80x128xbf16, #tpu.memory_space<vmem>>) target(%dma_start3A_79 : memref<10240x128xbf16, #tpu.memory_space<vmem_shared>>) offsets(%dma_start3A_76 : memref<80xi32, #tpu.memory_space<vmem>>) semaphore(%arg23 : memref<!tpu.dma_semaphore, #tpu.memory_space<semaphore_mem>>) {add = true}
    %dma_wait3A_80 = arith.constant 0 : i32
    %dma_wait3A_81 = arith.constant 0 : i32
    %dma_wait3A_82 = tpu.memref_slice %arg8[%dma_wait3A_80, %dma_wait3A_81] : memref<250x80xi32, #tpu.memory_space<vmem>> -> memref<1x80xi32, #tpu.memory_space<vmem>>
    %dma_wait3A_83 = tpu.memref_squeeze %dma_wait3A_82 : memref<1x80xi32, #tpu.memory_space<vmem>> -> memref<80xi32, #tpu.memory_space<vmem>>
    %dma_wait3A_84 = arith.constant 0 : i32
    %dma_wait3A_85 = arith.constant 0 : i32
    %dma_wait3A_86 = tpu.memref_slice %arg16[%dma_wait3A_84, %dma_wait3A_85] : memref<10240x128xbf16, #tpu.memory_space<vmem_shared>> -> memref<10240x128xbf16, #tpu.memory_space<vmem_shared>>
    tpu.wait_indirect_dma semaphore(%arg23 : memref<!tpu.dma_semaphore, #tpu.memory_space<semaphore_mem>>) src(%arg12 : memref<80x128xbf16, #tpu.memory_space<vmem>>) dst(%dma_wait3A_86 : memref<10240x128xbf16, #tpu.memory_space<vmem_shared>>)
    %dma_wait3A_87 = arith.constant 0 : i32
    %dma_wait3A_88 = arith.constant 0 : i32
    %dma_wait3A_89 = tpu.memref_slice %arg9[%dma_wait3A_87, %dma_wait3A_88] : memref<250x80xi32, #tpu.memory_space<vmem>> -> memref<1x80xi32, #tpu.memory_space<vmem>>
    %dma_wait3A_90 = tpu.memref_squeeze %dma_wait3A_89 : memref<1x80xi32, #tpu.memory_space<vmem>> -> memref<80xi32, #tpu.memory_space<vmem>>
    %dma_wait3A_91 = arith.constant 0 : i32
    %dma_wait3A_92 = arith.constant 0 : i32
    %dma_wait3A_93 = tpu.memref_slice %arg2[%dma_wait3A_91, %dma_wait3A_92] : memref<10000x128xbf16, #tpu.memory_space<hbm>> -> memref<10000x128xbf16, #tpu.memory_space<hbm>>
    tpu.wait_indirect_dma semaphore(%arg19 : memref<!tpu.dma_semaphore, #tpu.memory_space<semaphore_mem>>) src(%dma_wait3A_93 : memref<10000x128xbf16, #tpu.memory_space<hbm>>) dst(%arg13 : memref<80x128xbf16, #tpu.memory_space<vmem>>)
    %dma_start3A_94 = arith.constant 247 : i32
    %dma_start3A_95 = arith.constant 0 : i32
    %dma_start3A_96 = tpu.memref_slice %arg8[%dma_start3A_94, %dma_start3A_95] : memref<250x80xi32, #tpu.memory_space<vmem>> -> memref<1x80xi32, #tpu.memory_space<vmem>>
    %dma_start3A_97 = tpu.memref_squeeze %dma_start3A_96 : memref<1x80xi32, #tpu.memory_space<vmem>> -> memref<80xi32, #tpu.memory_space<vmem>>
    %dma_start3A_98 = arith.constant 0 : i32
    %dma_start3A_99 = arith.constant 0 : i32
    %dma_start3A_100 = tpu.memref_slice %arg16[%dma_start3A_98, %dma_start3A_99] : memref<10240x128xbf16, #tpu.memory_space<vmem_shared>> -> memref<10240x128xbf16, #tpu.memory_space<vmem_shared>>
    tpu.enqueue_indirect_dma source(%arg13 : memref<80x128xbf16, #tpu.memory_space<vmem>>) target(%dma_start3A_100 : memref<10240x128xbf16, #tpu.memory_space<vmem_shared>>) offsets(%dma_start3A_97 : memref<80xi32, #tpu.memory_space<vmem>>) semaphore(%arg24 : memref<!tpu.dma_semaphore, #tpu.memory_space<semaphore_mem>>) {add = true}
    %dma_wait3A_101 = arith.constant 0 : i32
    %dma_wait3A_102 = arith.constant 0 : i32
    %dma_wait3A_103 = tpu.memref_slice %arg8[%dma_wait3A_101, %dma_wait3A_102] : memref<250x80xi32, #tpu.memory_space<vmem>> -> memref<1x80xi32, #tpu.memory_space<vmem>>
    %dma_wait3A_104 = tpu.memref_squeeze %dma_wait3A_103 : memref<1x80xi32, #tpu.memory_space<vmem>> -> memref<80xi32, #tpu.memory_space<vmem>>
    %dma_wait3A_105 = arith.constant 0 : i32
    %dma_wait3A_106 = arith.constant 0 : i32
    %dma_wait3A_107 = tpu.memref_slice %arg16[%dma_wait3A_105, %dma_wait3A_106] : memref<10240x128xbf16, #tpu.memory_space<vmem_shared>> -> memref<10240x128xbf16, #tpu.memory_space<vmem_shared>>
    tpu.wait_indirect_dma semaphore(%arg24 : memref<!tpu.dma_semaphore, #tpu.memory_space<semaphore_mem>>) src(%arg13 : memref<80x128xbf16, #tpu.memory_space<vmem>>) dst(%dma_wait3A_107 : memref<10240x128xbf16, #tpu.memory_space<vmem_shared>>)
    %dma_wait3A_108 = arith.constant 0 : i32
    %dma_wait3A_109 = arith.constant 0 : i32
    %dma_wait3A_110 = tpu.memref_slice %arg9[%dma_wait3A_108, %dma_wait3A_109] : memref<250x80xi32, #tpu.memory_space<vmem>> -> memref<1x80xi32, #tpu.memory_space<vmem>>
    %dma_wait3A_111 = tpu.memref_squeeze %dma_wait3A_110 : memref<1x80xi32, #tpu.memory_space<vmem>> -> memref<80xi32, #tpu.memory_space<vmem>>
    %dma_wait3A_112 = arith.constant 0 : i32
    %dma_wait3A_113 = arith.constant 0 : i32
    %dma_wait3A_114 = tpu.memref_slice %arg2[%dma_wait3A_112, %dma_wait3A_113] : memref<10000x128xbf16, #tpu.memory_space<hbm>> -> memref<10000x128xbf16, #tpu.memory_space<hbm>>
    tpu.wait_indirect_dma semaphore(%arg20 : memref<!tpu.dma_semaphore, #tpu.memory_space<semaphore_mem>>) src(%dma_wait3A_114 : memref<10000x128xbf16, #tpu.memory_space<hbm>>) dst(%arg14 : memref<80x128xbf16, #tpu.memory_space<vmem>>)
    %dma_start3A_115 = arith.constant 248 : i32
    %dma_start3A_116 = arith.constant 0 : i32
    %dma_start3A_117 = tpu.memref_slice %arg8[%dma_start3A_115, %dma_start3A_116] : memref<250x80xi32, #tpu.memory_space<vmem>> -> memref<1x80xi32, #tpu.memory_space<vmem>>
    %dma_start3A_118 = tpu.memref_squeeze %dma_start3A_117 : memref<1x80xi32, #tpu.memory_space<vmem>> -> memref<80xi32, #tpu.memory_space<vmem>>
    %dma_start3A_119 = arith.constant 0 : i32
    %dma_start3A_120 = arith.constant 0 : i32
    %dma_start3A_121 = tpu.memref_slice %arg16[%dma_start3A_119, %dma_start3A_120] : memref<10240x128xbf16, #tpu.memory_space<vmem_shared>> -> memref<10240x128xbf16, #tpu.memory_space<vmem_shared>>
    tpu.enqueue_indirect_dma source(%arg14 : memref<80x128xbf16, #tpu.memory_space<vmem>>) target(%dma_start3A_121 : memref<10240x128xbf16, #tpu.memory_space<vmem_shared>>) offsets(%dma_start3A_118 : memref<80xi32, #tpu.memory_space<vmem>>) semaphore(%arg25 : memref<!tpu.dma_semaphore, #tpu.memory_space<semaphore_mem>>) {add = true}
    %dma_wait3A_122 = arith.constant 0 : i32
    %dma_wait3A_123 = arith.constant 0 : i32
    %dma_wait3A_124 = tpu.memref_slice %arg8[%dma_wait3A_122, %dma_wait3A_123] : memref<250x80xi32, #tpu.memory_space<vmem>> -> memref<1x80xi32, #tpu.memory_space<vmem>>
    %dma_wait3A_125 = tpu.memref_squeeze %dma_wait3A_124 : memref<1x80xi32, #tpu.memory_space<vmem>> -> memref<80xi32, #tpu.memory_space<vmem>>
    %dma_wait3A_126 = arith.constant 0 : i32
    %dma_wait3A_127 = arith.constant 0 : i32
    %dma_wait3A_128 = tpu.memref_slice %arg16[%dma_wait3A_126, %dma_wait3A_127] : memref<10240x128xbf16, #tpu.memory_space<vmem_shared>> -> memref<10240x128xbf16, #tpu.memory_space<vmem_shared>>
    tpu.wait_indirect_dma semaphore(%arg25 : memref<!tpu.dma_semaphore, #tpu.memory_space<semaphore_mem>>) src(%arg14 : memref<80x128xbf16, #tpu.memory_space<vmem>>) dst(%dma_wait3A_128 : memref<10240x128xbf16, #tpu.memory_space<vmem_shared>>)
    %dma_wait3A_129 = arith.constant 0 : i32
    %dma_wait3A_130 = arith.constant 0 : i32
    %dma_wait3A_131 = tpu.memref_slice %arg9[%dma_wait3A_129, %dma_wait3A_130] : memref<250x80xi32, #tpu.memory_space<vmem>> -> memref<1x80xi32, #tpu.memory_space<vmem>>
    %dma_wait3A_132 = tpu.memref_squeeze %dma_wait3A_131 : memref<1x80xi32, #tpu.memory_space<vmem>> -> memref<80xi32, #tpu.memory_space<vmem>>
    %dma_wait3A_133 = arith.constant 0 : i32
    %dma_wait3A_134 = arith.constant 0 : i32
    %dma_wait3A_135 = tpu.memref_slice %arg2[%dma_wait3A_133, %dma_wait3A_134] : memref<10000x128xbf16, #tpu.memory_space<hbm>> -> memref<10000x128xbf16, #tpu.memory_space<hbm>>
    tpu.wait_indirect_dma semaphore(%arg21 : memref<!tpu.dma_semaphore, #tpu.memory_space<semaphore_mem>>) src(%dma_wait3A_135 : memref<10000x128xbf16, #tpu.memory_space<hbm>>) dst(%arg15 : memref<80x128xbf16, #tpu.memory_space<vmem>>)
    %dma_start3A_136 = arith.constant 249 : i32
    %dma_start3A_137 = arith.constant 0 : i32
    %dma_start3A_138 = tpu.memref_slice %arg8[%dma_start3A_136, %dma_start3A_137] : memref<250x80xi32, #tpu.memory_space<vmem>> -> memref<1x80xi32, #tpu.memory_space<vmem>>
    %dma_start3A_139 = tpu.memref_squeeze %dma_start3A_138 : memref<1x80xi32, #tpu.memory_space<vmem>> -> memref<80xi32, #tpu.memory_space<vmem>>
    %dma_start3A_140 = arith.constant 0 : i32
    %dma_start3A_141 = arith.constant 0 : i32
    %dma_start3A_142 = tpu.memref_slice %arg16[%dma_start3A_140, %dma_start3A_141] : memref<10240x128xbf16, #tpu.memory_space<vmem_shared>> -> memref<10240x128xbf16, #tpu.memory_space<vmem_shared>>
    tpu.enqueue_indirect_dma source(%arg15 : memref<80x128xbf16, #tpu.memory_space<vmem>>) target(%dma_start3A_142 : memref<10240x128xbf16, #tpu.memory_space<vmem_shared>>) offsets(%dma_start3A_139 : memref<80xi32, #tpu.memory_space<vmem>>) semaphore(%arg26 : memref<!tpu.dma_semaphore, #tpu.memory_space<semaphore_mem>>) {add = true}
    %dma_wait3A_143 = arith.constant 0 : i32
    %dma_wait3A_144 = arith.constant 0 : i32
    %dma_wait3A_145 = tpu.memref_slice %arg8[%dma_wait3A_143, %dma_wait3A_144] : memref<250x80xi32, #tpu.memory_space<vmem>> -> memref<1x80xi32, #tpu.memory_space<vmem>>
    %dma_wait3A_146 = tpu.memref_squeeze %dma_wait3A_145 : memref<1x80xi32, #tpu.memory_space<vmem>> -> memref<80xi32, #tpu.memory_space<vmem>>
    %dma_wait3A_147 = arith.constant 0 : i32
    %dma_wait3A_148 = arith.constant 0 : i32
    %dma_wait3A_149 = tpu.memref_slice %arg16[%dma_wait3A_147, %dma_wait3A_148] : memref<10240x128xbf16, #tpu.memory_space<vmem_shared>> -> memref<10240x128xbf16, #tpu.memory_space<vmem_shared>>
    tpu.wait_indirect_dma semaphore(%arg26 : memref<!tpu.dma_semaphore, #tpu.memory_space<semaphore_mem>>) src(%arg15 : memref<80x128xbf16, #tpu.memory_space<vmem>>) dst(%dma_wait3A_149 : memref<10240x128xbf16, #tpu.memory_space<vmem_shared>>)
    %barrier3A_150 = arith.constant 0 : index
    tpu.barrier barrier_id(%barrier3A_150)
    "tpu.region"() ({
      %run_scoped3A = tpu.sem_alloc : memref<!tpu.dma_semaphore, #tpu.memory_space<semaphore_mem>>
      %dma_start3A_151 = arith.constant 0 : i32
      %dma_start3A_152 = tpu.memref_slice %arg7[%arg0, %mul3A_5, %dma_start3A_151] : memref<2x10240x128xbf16, #tpu.memory_space<hbm>> -> memref<1x640x128xbf16, #tpu.memory_space<hbm>>
      %dma_start3A_153 = tpu.memref_squeeze %dma_start3A_152 : memref<1x640x128xbf16, #tpu.memory_space<hbm>> -> memref<640x128xbf16, #tpu.memory_space<hbm>>
      %dma_start3A_154 = arith.constant 0 : i32
      %dma_start3A_155 = tpu.memref_slice %arg16[%mul3A_5, %dma_start3A_154] : memref<10240x128xbf16, #tpu.memory_space<vmem_shared>> -> memref<640x128xbf16, #tpu.memory_space<vmem_shared>>
      tpu.enqueue_dma source(%dma_start3A_155 : memref<640x128xbf16, #tpu.memory_space<vmem_shared>>) target(%dma_start3A_153 : memref<640x128xbf16, #tpu.memory_space<hbm>>) target_semaphore(%run_scoped3A : memref<!tpu.dma_semaphore, #tpu.memory_space<semaphore_mem>>)
      %dma_wait3A_156 = arith.constant 0 : i32
      %dma_wait3A_157 = tpu.memref_slice %arg7[%arg0, %mul3A_5, %dma_wait3A_156] : memref<2x10240x128xbf16, #tpu.memory_space<hbm>> -> memref<1x640x128xbf16, #tpu.memory_space<hbm>>
      %dma_wait3A_158 = tpu.memref_squeeze %dma_wait3A_157 : memref<1x640x128xbf16, #tpu.memory_space<hbm>> -> memref<640x128xbf16, #tpu.memory_space<hbm>>
      %dma_wait3A_159 = arith.constant 0 : i32
      %dma_wait3A_160 = tpu.memref_slice %arg16[%mul3A_5, %dma_wait3A_159] : memref<10240x128xbf16, #tpu.memory_space<vmem_shared>> -> memref<640x128xbf16, #tpu.memory_space<vmem_shared>>
      tpu.wait_dma2 semaphore(%run_scoped3A : memref<!tpu.dma_semaphore, #tpu.memory_space<semaphore_mem>>) src(%dma_wait3A_160 : memref<640x128xbf16, #tpu.memory_space<vmem_shared>>) dst(%dma_wait3A_158 : memref<640x128xbf16, #tpu.memory_space<hbm>>)
      tpu.yield
    }) : () -> ()
    return
  }
}

module attributes {stable_mosaic.version = 14 : i64} {
  func.func @_xw_body(%arg0: i32, %arg1: memref<1000x128xf32, #tpu.memory_space<vmem>>, %arg2: memref<128x128xf32, #tpu.memory_space<vmem>>, %arg3: memref<1000x128xbf16, #tpu.memory_space<vmem>>) attributes {dimension_semantics = [#tpu.dimension_semantics<arbitrary>], iteration_bounds = array<i64: 10>, scalar_prefetch = 0 : i64, scratch_operands = 0 : i64, tpu.core_type = #tpu.core_type<tc>, window_params = [{transform_indices = @transform_0, window_bounds = array<i64: 1000, 128>}, {pipeline_mode = #tpu.pipeline_mode<synchronous>, transform_indices = @transform_1, window_bounds = array<i64: 128, 128>}, {transform_indices = @transform_2, window_bounds = array<i64: 1000, 128>}]} {
    %get3A = arith.constant 0 : index
    %get3A_0 = arith.constant 0 : index
    %get3A_1 = vector.load %arg1[%get3A, %get3A_0] : memref<1000x128xf32, #tpu.memory_space<vmem>>, vector<1000x128xf32>
    %get3A_2 = arith.constant 0 : index
    %get3A_3 = arith.constant 0 : index
    %get3A_4 = vector.load %arg2[%get3A_2, %get3A_3] : memref<128x128xf32, #tpu.memory_space<vmem>>, vector<128x128xf32>
    %dot_general3A = arith.constant dense<0.000000e+00> : vector<1000x128xf32>
    %dot_general3A_5 = tpu.matmul %get3A_1, %get3A_4, %dot_general3A {dimension_numbers = #tpu.dot_dimension_numbers<[1], [0], [0], [1], [0, 0, 1, 1], [], []>, transpose_lhs_hint = false} : vector<1000x128xf32>, vector<128x128xf32>, vector<1000x128xf32> -> vector<1000x128xf32>
    %convert_element_type3A = arith.truncf %dot_general3A_5 : vector<1000x128xf32> to vector<1000x128xbf16>
    %swap3A = arith.constant 0 : index
    %swap3A_6 = arith.constant 0 : index
    %swap3A_7 = vector.load %arg3[%swap3A, %swap3A_6] : memref<1000x128xbf16, #tpu.memory_space<vmem>>, vector<1000x128xbf16>
    tpu.vector_store %arg3[%swap3A, %swap3A_6], %convert_element_type3A {strides = array<i32>} : memref<1000x128xbf16, #tpu.memory_space<vmem>>, vector<1000x128xbf16>,
    return
  }
  func.func @transform_0(%arg0: i32) -> (i32, i32) {
    %c0_i32 = arith.constant 0 : i32
    %c0_i32_0 = arith.constant 0 : i32
    return %arg0, %c0_i32 : i32, i32
  }
  func.func @transform_1(%arg0: i32) -> (i32, i32) {
    %c0_i32 = arith.constant 0 : i32
    %c0_i32_0 = arith.constant 0 : i32
    %c0_i32_1 = arith.constant 0 : i32
    return %c0_i32, %c0_i32_0 : i32, i32
  }
  func.func @transform_2(%arg0: i32) -> (i32, i32) {
    %c0_i32 = arith.constant 0 : i32
    %c0_i32_0 = arith.constant 0 : i32
    return %arg0, %c0_i32 : i32, i32
  }
}

module attributes {stable_mosaic.version = 14 : i64} {
  func.func @_epi_body(%arg0: i32, %arg1: i32, %arg2: memref<2x1000x128xbf16, #tpu.memory_space<vmem>>, %arg3: memref<1x128xf32, #tpu.memory_space<vmem>>, %arg4: memref<1x128xf32, #tpu.memory_space<vmem>>, %arg5: memref<128x128xf32, #tpu.memory_space<vmem>>, %arg6: memref<1x1xf32, #tpu.memory_space<smem>>, %arg7: memref<1x1xf32, #tpu.memory_space<smem>>, %arg8: memref<1x128xf32, #tpu.memory_space<vmem>>) attributes {dimension_semantics = [#tpu.dimension_semantics<arbitrary>, #tpu.dimension_semantics<arbitrary>], iteration_bounds = array<i64: 2, 10>, scalar_prefetch = 0 : i64, scratch_operands = 1 : i64, tpu.core_type = #tpu.core_type<tc>, window_params = [{transform_indices = @transform_0, window_bounds = array<i64: 2, 1000, 128>}, {pipeline_mode = #tpu.pipeline_mode<synchronous>, transform_indices = @transform_1, window_bounds = array<i64: 1, 128>}, {pipeline_mode = #tpu.pipeline_mode<synchronous>, transform_indices = @transform_2, window_bounds = array<i64: 1, 128>}, {pipeline_mode = #tpu.pipeline_mode<synchronous>, transform_indices = @transform_3, window_bounds = array<i64: 128, 128>}, {transform_indices = @transform_4, window_bounds = array<i64: 1, 1>}, {transform_indices = @transform_5, window_bounds = array<i64: 1, 1>}]} {
    %get3A = arith.constant 0 : index
    %get3A_0 = arith.constant 0 : index
    %get3A_1 = vector.load %arg3[%get3A, %get3A_0] : memref<1x128xf32, #tpu.memory_space<vmem>>, vector<1x128xf32>
    %get3A_2 = arith.constant 0 : index
    %get3A_3 = arith.constant 0 : index
    %get3A_4 = vector.load %arg4[%get3A_2, %get3A_3] : memref<1x128xf32, #tpu.memory_space<vmem>>, vector<1x128xf32>
    %eq3A = arith.constant 0 : i32
    %eq3A_5 = arith.cmpi eq, %arg0, %eq3A : i32
    %convert_element_type3A = arith.extui %eq3A_5 : i1 to i32
    %cond3A = arith.constant 0 : i32
    %cond3A_6 = arith.cmpi ne, %convert_element_type3A, %cond3A : i32
    scf.if %cond3A_6 {
      %get3A_12 = arith.constant 0 : index
      %get3A_13 = arith.constant 0 : index
      %get3A_14 = arith.constant 0 : index
      %get3A_15 = vector.load %arg2[%get3A_12, %get3A_13, %get3A_14] : memref<2x1000x128xbf16, #tpu.memory_space<vmem>>, vector<1x1000x128xbf16>
      %get3A_16 = vector.shape_cast %get3A_15 : vector<1x1000x128xbf16> to vector<1000x128xbf16>
      %convert_element_type3A_17 = arith.extf %get3A_16 : vector<1000x128xbf16> to vector<1000x128xf32>
      %add3A = vector.broadcast %get3A_1 : vector<1x128xf32> to vector<1000x128xf32>
      %add3A_18 = arith.addf %convert_element_type3A_17, %add3A : vector<1000x128xf32>
      %gt3A = arith.constant 0.000000e+00 : f32
      %gt3A_19 = vector.broadcast %gt3A : f32 to vector<1000x128xf32>
      %gt3A_20 = arith.cmpf ogt, %add3A_18, %gt3A_19 : vector<1000x128xf32>
      %mul3A = vector.broadcast %get3A_4 : vector<1x128xf32> to vector<1000x128xf32>
      %mul3A_21 = arith.mulf %mul3A, %add3A_18 : vector<1000x128xf32>
      %select_n3A = arith.select %gt3A_20, %add3A_18, %mul3A_21 : vector<1000x128xi1>, vector<1000x128xf32>
      %eq3A_22 = arith.constant 0 : i32
      %eq3A_23 = arith.cmpi eq, %arg1, %eq3A_22 : i32
      %convert_element_type3A_24 = arith.extui %eq3A_23 : i1 to i32
      %cond3A_25 = arith.constant 0 : i32
      %cond3A_26 = arith.cmpi ne, %convert_element_type3A_24, %cond3A_25 : i32
      scf.if %cond3A_26 {
        %broadcast_in_dim3A_34 = arith.constant 0.000000e+00 : f32
        %broadcast_in_dim3A_35 = vector.broadcast %broadcast_in_dim3A_34 : f32 to vector<1x128xf32>
        %swap3A_36 = arith.constant 0 : index
        %swap3A_37 = arith.constant 0 : index
        %swap3A_38 = vector.load %arg8[%swap3A_36, %swap3A_37] : memref<1x128xf32, #tpu.memory_space<vmem>>, vector<1x128xf32>
        tpu.vector_store %arg8[%swap3A_36, %swap3A_37], %broadcast_in_dim3A_35 {strides = array<i32>} : memref<1x128xf32, #tpu.memory_space<vmem>>, vector<1x128xf32>,
      } else {
      }
      %get3A_27 = arith.constant 0 : index
      %get3A_28 = arith.constant 0 : index
      %get3A_29 = vector.load %arg8[%get3A_27, %get3A_28] : memref<1x128xf32, #tpu.memory_space<vmem>>, vector<1x128xf32>
      %reduce_sum3A = arith.constant dense<0.000000e+00> : vector<128xf32>
      %reduce_sum3A_30 = vector.multi_reduction <add>, %select_n3A, %reduce_sum3A [0] : vector<1000x128xf32> to vector<128xf32>
      %broadcast_in_dim3A = vector.shape_cast %reduce_sum3A_30 : vector<128xf32> to vector<1x128xf32>
      %add3A_31 = arith.addf %get3A_29, %broadcast_in_dim3A : vector<1x128xf32>
      %swap3A = arith.constant 0 : index
      %swap3A_32 = arith.constant 0 : index
      %swap3A_33 = vector.load %arg8[%swap3A, %swap3A_32] : memref<1x128xf32, #tpu.memory_space<vmem>>, vector<1x128xf32>
      tpu.vector_store %arg8[%swap3A, %swap3A_32], %add3A_31 {strides = array<i32>} : memref<1x128xf32, #tpu.memory_space<vmem>>, vector<1x128xf32>,
    } else {
    }
    %eq3A_7 = arith.constant 1 : i32
    %eq3A_8 = arith.cmpi eq, %arg0, %eq3A_7 : i32
    %convert_element_type3A_9 = arith.extui %eq3A_8 : i1 to i32
    %cond3A_10 = arith.constant 0 : i32
    %cond3A_11 = arith.cmpi ne, %convert_element_type3A_9, %cond3A_10 : i32
    scf.if %cond3A_11 {
      %get3A_12 = arith.constant 0 : index
      %get3A_13 = arith.constant 0 : index
      %get3A_14 = arith.constant 0 : index
      %get3A_15 = vector.load %arg2[%get3A_12, %get3A_13, %get3A_14] : memref<2x1000x128xbf16, #tpu.memory_space<vmem>>, vector<1x1000x128xbf16>
      %get3A_16 = vector.shape_cast %get3A_15 : vector<1x1000x128xbf16> to vector<1000x128xbf16>
      %convert_element_type3A_17 = arith.extf %get3A_16 : vector<1000x128xbf16> to vector<1000x128xf32>
      %add3A = vector.broadcast %get3A_1 : vector<1x128xf32> to vector<1000x128xf32>
      %add3A_18 = arith.addf %convert_element_type3A_17, %add3A : vector<1000x128xf32>
      %gt3A = arith.constant 0.000000e+00 : f32
      %gt3A_19 = vector.broadcast %gt3A : f32 to vector<1000x128xf32>
      %gt3A_20 = arith.cmpf ogt, %add3A_18, %gt3A_19 : vector<1000x128xf32>
      %mul3A = vector.broadcast %get3A_4 : vector<1x128xf32> to vector<1000x128xf32>
      %mul3A_21 = arith.mulf %mul3A, %add3A_18 : vector<1000x128xf32>
      %select_n3A = arith.select %gt3A_20, %add3A_18, %mul3A_21 : vector<1000x128xi1>, vector<1000x128xf32>
      %get3A_22 = arith.constant 1 : index
      %get3A_23 = arith.constant 0 : index
      %get3A_24 = arith.constant 0 : index
      %get3A_25 = vector.load %arg2[%get3A_22, %get3A_23, %get3A_24] : memref<2x1000x128xbf16, #tpu.memory_space<vmem>>, vector<1x1000x128xbf16>
      %get3A_26 = vector.shape_cast %get3A_25 : vector<1x1000x128xbf16> to vector<1000x128xbf16>
      %convert_element_type3A_27 = arith.extf %get3A_26 : vector<1000x128xbf16> to vector<1000x128xf32>
      %add3A_28 = vector.broadcast %get3A_1 : vector<1x128xf32> to vector<1000x128xf32>
      %add3A_29 = arith.addf %convert_element_type3A_27, %add3A_28 : vector<1000x128xf32>
      %gt3A_30 = arith.constant 0.000000e+00 : f32
      %gt3A_31 = vector.broadcast %gt3A_30 : f32 to vector<1000x128xf32>
      %gt3A_32 = arith.cmpf ogt, %add3A_29, %gt3A_31 : vector<1000x128xf32>
      %mul3A_33 = vector.broadcast %get3A_4 : vector<1x128xf32> to vector<1000x128xf32>
      %mul3A_34 = arith.mulf %mul3A_33, %add3A_29 : vector<1000x128xf32>
      %select_n3A_35 = arith.select %gt3A_32, %add3A_29, %mul3A_34 : vector<1000x128xi1>, vector<1000x128xf32>
      %get3A_36 = arith.constant 0 : index
      %get3A_37 = arith.constant 0 : index
      %get3A_38 = vector.load %arg8[%get3A_36, %get3A_37] : memref<1x128xf32, #tpu.memory_space<vmem>>, vector<1x128xf32>
      %mul3A_39 = arith.constant 9.99999974E-5 : f32
      %mul3A_40 = vector.broadcast %mul3A_39 : f32 to vector<1x128xf32>
      %mul3A_41 = arith.mulf %get3A_38, %mul3A_40 : vector<1x128xf32>
      %neg3A = arith.constant 0.000000e+00 : f32
      %neg3A_42 = vector.broadcast %neg3A : f32 to vector<1x128xf32>
      %neg3A_43 = arith.subf %neg3A_42, %mul3A_41 : vector<1x128xf32>
      %exp3A = math.exp %neg3A_43 : vector<1x128xf32>
      %add3A_44 = arith.constant 1.000000e+00 : f32
      %add3A_45 = vector.broadcast %add3A_44 : f32 to vector<1x128xf32>
      %add3A_46 = arith.addf %add3A_45, %exp3A : vector<1x128xf32>
      %div3A = arith.constant 1.000000e+00 : f32
      %div3A_47 = vector.broadcast %div3A : f32 to vector<1x128xf32>
      %div3A_48 = arith.divf %div3A_47, %add3A_46 : vector<1x128xf32>
      %get3A_49 = arith.constant 0 : index
      %get3A_50 = arith.constant 0 : index
      %get3A_51 = vector.load %arg5[%get3A_49, %get3A_50] : memref<128x128xf32, #tpu.memory_space<vmem>>, vector<128x128xf32>
      %mul3A_52 = vector.broadcast %div3A_48 : vector<1x128xf32> to vector<128x128xf32>
      %mul3A_53 = arith.mulf %get3A_51, %mul3A_52 : vector<128x128xf32>
      %reduce_sum3A = arith.constant dense<0.000000e+00> : vector<128xf32>
      %reduce_sum3A_54 = vector.multi_reduction <add>, %mul3A_53, %reduce_sum3A [1] : vector<128x128xf32> to vector<128xf32>
      %broadcast_in_dim3A = vector.shape_cast %reduce_sum3A_54 : vector<128xf32> to vector<128x1xf32>
      %get3A_55 = arith.constant 0 : index
      %get3A_56 = arith.constant 0 : index
      %get3A_57 = memref.load %arg6[%get3A_55, %get3A_56] : memref<1x1xf32, #tpu.memory_space<smem>>
      %dot_general3A = arith.constant dense<0.000000e+00> : vector<1000x1xf32>
      %dot_general3A_58 = tpu.matmul %select_n3A, %broadcast_in_dim3A, %dot_general3A {dimension_numbers = #tpu.dot_dimension_numbers<[1], [0], [0], [1], [0, 0, 1, 1], [], []>, transpose_lhs_hint = false} : vector<1000x128xf32>, vector<128x1xf32>, vector<1000x1xf32> -> vector<1000x1xf32>
      %add3A_59 = vector.broadcast %get3A_57 : f32 to vector<1000x1xf32>
      %add3A_60 = arith.addf %dot_general3A_58, %add3A_59 : vector<1000x1xf32>
      %dot_general3A_61 = arith.constant dense<0.000000e+00> : vector<1000x1xf32>
      %dot_general3A_62 = tpu.matmul %select_n3A_35, %broadcast_in_dim3A, %dot_general3A_61 {dimension_numbers = #tpu.dot_dimension_numbers<[1], [0], [0], [1], [0, 0, 1, 1], [], []>, transpose_lhs_hint = false} : vector<1000x128xf32>, vector<128x1xf32>, vector<1000x1xf32> -> vector<1000x1xf32>
      %add3A_63 = vector.broadcast %get3A_57 : f32 to vector<1000x1xf32>
      %add3A_64 = arith.addf %dot_general3A_62, %add3A_63 : vector<1000x1xf32>
      %max3A = arith.constant 0.000000e+00 : f32
      %max3A_65 = vector.broadcast %max3A : f32 to vector<1000x1xf32>
      %max3A_66 = arith.maximumf %add3A_60, %max3A_65 : vector<1000x1xf32>
      %sub3A = arith.subf %max3A_66, %add3A_60 : vector<1000x1xf32>
      %abs3A = math.absf %add3A_60 : vector<1000x1xf32>
      %neg3A_67 = arith.constant 0.000000e+00 : f32
      %neg3A_68 = vector.broadcast %neg3A_67 : f32 to vector<1000x1xf32>
      %neg3A_69 = arith.subf %neg3A_68, %abs3A : vector<1000x1xf32>
      %exp3A_70 = math.exp %neg3A_69 : vector<1000x1xf32>
      %add3A_71 = arith.constant 1.000000e+00 : f32
      %add3A_72 = vector.broadcast %add3A_71 : f32 to vector<1000x1xf32>
      %add3A_73 = arith.addf %add3A_72, %exp3A_70 : vector<1000x1xf32>
      %log3A = math.log %add3A_73 : vector<1000x1xf32>
      %add3A_74 = arith.addf %sub3A, %log3A : vector<1000x1xf32>
      %reduce_sum3A_75 = vector.shape_cast %add3A_74 : vector<1000x1xf32> to vector<1x1000x1xf32>
      %reduce_sum3A_76 = arith.constant dense<0.000000e+00> : vector<1xf32>
      %reduce_sum3A_77 = vector.multi_reduction <add>, %reduce_sum3A_75, %reduce_sum3A_76 [1, 2] : vector<1x1000x1xf32> to vector<1xf32>
      %reduce_sum3A_78 = vector.shape_cast %reduce_sum3A_77 : vector<1xf32> to vector<1x1x1xf32>
      %reduce_sum3A_79 = vector.extract %reduce_sum3A_78[0, 0, 0] : f32 from vector<1x1x1xf32>
      %max3A_80 = arith.constant 0.000000e+00 : f32
      %max3A_81 = vector.broadcast %max3A_80 : f32 to vector<1000x1xf32>
      %max3A_82 = arith.maximumf %add3A_64, %max3A_81 : vector<1000x1xf32>
      %abs3A_83 = math.absf %add3A_64 : vector<1000x1xf32>
      %neg3A_84 = arith.constant 0.000000e+00 : f32
      %neg3A_85 = vector.broadcast %neg3A_84 : f32 to vector<1000x1xf32>
      %neg3A_86 = arith.subf %neg3A_85, %abs3A_83 : vector<1000x1xf32>
      %exp3A_87 = math.exp %neg3A_86 : vector<1000x1xf32>
      %add3A_88 = arith.constant 1.000000e+00 : f32
      %add3A_89 = vector.broadcast %add3A_88 : f32 to vector<1000x1xf32>
      %add3A_90 = arith.addf %add3A_89, %exp3A_87 : vector<1000x1xf32>
      %log3A_91 = math.log %add3A_90 : vector<1000x1xf32>
      %add3A_92 = arith.addf %max3A_82, %log3A_91 : vector<1000x1xf32>
      %reduce_sum3A_93 = vector.shape_cast %add3A_92 : vector<1000x1xf32> to vector<1x1000x1xf32>
      %reduce_sum3A_94 = arith.constant dense<0.000000e+00> : vector<1xf32>
      %reduce_sum3A_95 = vector.multi_reduction <add>, %reduce_sum3A_93, %reduce_sum3A_94 [1, 2] : vector<1x1000x1xf32> to vector<1xf32>
      %reduce_sum3A_96 = vector.shape_cast %reduce_sum3A_95 : vector<1xf32> to vector<1x1x1xf32>
      %reduce_sum3A_97 = vector.extract %reduce_sum3A_96[0, 0, 0] : f32 from vector<1x1x1xf32>
      %add3A_98 = arith.addf %reduce_sum3A_79, %reduce_sum3A_97 : f32
      %eq3A_99 = arith.constant 0 : i32
      %eq3A_100 = arith.cmpi eq, %arg1, %eq3A_99 : i32
      %convert_element_type3A_101 = arith.extui %eq3A_100 : i1 to i32
      %cond3A_102 = arith.constant 0 : i32
      %cond3A_103 = arith.cmpi ne, %convert_element_type3A_101, %cond3A_102 : i32
      scf.if %cond3A_103 {
        %swap3A_112 = arith.constant 0.000000e+00 : f32
        %swap3A_113 = arith.constant 0 : index
        %swap3A_114 = arith.constant 0 : index
        %swap3A_115 = memref.load %arg7[%swap3A_113, %swap3A_114] : memref<1x1xf32, #tpu.memory_space<smem>>
        memref.store %swap3A_112, %arg7[%swap3A_113, %swap3A_114] : memref<1x1xf32, #tpu.memory_space<smem>>
      } else {
      }
      %get3A_104 = arith.constant 0 : index
      %get3A_105 = arith.constant 0 : index
      %get3A_106 = memref.load %arg7[%get3A_104, %get3A_105] : memref<1x1xf32, #tpu.memory_space<smem>>
      %mul3A_107 = arith.constant 5.000000e-05 : f32
      %mul3A_108 = arith.mulf %add3A_98, %mul3A_107 : f32
      %add3A_109 = arith.addf %get3A_106, %mul3A_108 : f32
      %swap3A = arith.constant 0 : index
      %swap3A_110 = arith.constant 0 : index
      %swap3A_111 = memref.load %arg7[%swap3A, %swap3A_110] : memref<1x1xf32, #tpu.memory_space<smem>>
      memref.store %add3A_109, %arg7[%swap3A, %swap3A_110] : memref<1x1xf32, #tpu.memory_space<smem>>
    } else {
    }
    return
  }
  func.func @transform_0(%arg0: i32, %arg1: i32) -> (i32, i32, i32) {
    %c0_i32 = arith.constant 0 : i32
    %c0_i32_0 = arith.constant 0 : i32
    %c0_i32_1 = arith.constant 0 : i32
    return %c0_i32, %arg1, %c0_i32_0 : i32, i32, i32
  }
  func.func @transform_1(%arg0: i32, %arg1: i32) -> (i32, i32) {
    %c0_i32 = arith.constant 0 : i32
    %c0_i32_0 = arith.constant 0 : i32
    %c0_i32_1 = arith.constant 0 : i32
    return %c0_i32, %c0_i32_0 : i32, i32
  }
  func.func @transform_2(%arg0: i32, %arg1: i32) -> (i32, i32) {
    %c0_i32 = arith.constant 0 : i32
    %c0_i32_0 = arith.constant 0 : i32
    %c0_i32_1 = arith.constant 0 : i32
    return %c0_i32, %c0_i32_0 : i32, i32
  }
  func.func @transform_3(%arg0: i32, %arg1: i32) -> (i32, i32) {
    %c0_i32 = arith.constant 0 : i32
    %c0_i32_0 = arith.constant 0 : i32
    %c0_i32_1 = arith.constant 0 : i32
    return %c0_i32, %c0_i32_0 : i32, i32
  }
  func.func @transform_4(%arg0: i32, %arg1: i32) -> (i32, i32) {
    %c0_i32 = arith.constant 0 : i32
    %c0_i32_0 = arith.constant 0 : i32
    %c0_i32_1 = arith.constant 0 : i32
    return %c0_i32, %c0_i32_0 : i32, i32
  }
  func.func @transform_5(%arg0: i32, %arg1: i32) -> (i32, i32) {
    %c0_i32 = arith.constant 0 : i32
    %c0_i32_0 = arith.constant 0 : i32
    %c0_i32_1 = arith.constant 0 : i32
    return %c0_i32, %c0_i32_0 : i32, i32
  }
}

</mosaic_0001>

<sc_bundles>
// kernel: kernel.5.cloned.1.call-start
scs
__scs_entry_jumppad:
0x0: {  	(pc) =	sbr.rel $0x88, $3  }
0x1: {  	(tag) =	ssettag $0x0;
	lr =	simm.s32 $0x1  }
0x2: {  	[smem:$0x3F99] =	sst lr;
	_ =	strace $0xD0000000  }
0x3: {  	_ = 	snop  }
0x4: {  	_ = 	snop  }
0x5: {  	_ = 	snop  }
0x6: {  	_ = 	snop  }
0x7: {  	_ = 	snop  }
__scs_overlays_trampoline_lowered:
0x8: {  	[smem:$0x3FA8] =	sst s0  }
0x9: {  	[smem:$0x3FA9] =	sst s1  }
0xa: {  	[smem:$0x3FAA] =	sst s2  }
0xb: {  	[smem:$0x3FAB] =	sst s3  }
0xc: {  	[smem:$0x3FAC] =	sst s4  }
0xd: {  	[smem:$0x3FAD] =	sst s5  }
0xe: {  	[smem:$0x3FAE] =	sst s6  }
0xf: {  	[smem:$0x3FAF] =	sst s7  }
0x10: {  	[smem:$0x3FB0] =	sst s8  }
0x11: {  	[smem:$0x3FB1] =	sst s9;
	s0 =	simm.s32 @!p0 $0x0  }
0x12: {  	s1 =	sld [smem:$0x3F97];
	s0 =	simm.s32 @p0 $0x1  }
0x13: {  	[smem:$0x3FB2] =	sst s0;
	s0 =	simm.s32 @!p1 $0x0  }
0x14: {  	s2 =	sld [smem:$0x3F96];
	s0 =	simm.s32 @p1 $0x1  }
0x15: {  	[smem:$0x3FB3] =	sst s0;
	s0 =	simm.s32 @!p2 $0x0  }
0x16: {  	s3 =	sld [smem:$0x3FDB];
	s0 =	simm.s32 @p2 $0x1  }
0x17: {  	s4 =	simm.s32 $0x1BF5;
	[smem:$0x3FB5] =	sst s0  }
0x18: {  	s0 =	sld [smem:$0x3F98];
	_ =	swait.ge [sflag:s4], $0x0  }
0x19: {  	s7 =	sld [smem:$0x3F99]  }
0x1a: {  	s8 =	sadd.s32 $0xFFFFE003, lr  }
0x1b: {  	s9 =	sadd.s32 $0xFFFFFEF7, lr;
	s5 =	simm.s32 $0xFFFFFFFF;
	p2 =	slt.u32 s8, $0xFFFFF086  }
0x1c: {  	p1 =	slt.u32 s9, $0xF7A;
	s5 =	simm.s32 @!p2 $0x0  }
0x1d: {  	s5 =	simm.s32 @p1 $0x1;
	p0 =	seq.s32 s7, s2  }
0x1e: {  	s7 =	smul.u32 @!p0 $0xF7A, s2;
	p2 =	seq.s32 @!p0 s5, $0x0  }
0x1f: {  	s9 =	smul.u32 $0xF7A, s1;
	s8 =	simm.s32 @!p0 $0x1BF5;
	p2 =	por !p2, p0  }
0x20: {  	[sflag:s8] =	ssyncset.s32 @!p0 $0xFFFFF086;
	s6 =	sadd.s32 @!p0 s3, s7;
	s7 =	simm.s32 @!p0 $0x108  }
0x21: {  	s3 =	sadd.s32 s3, s9;
	s6 =	sadd.s32 @!p0 $0x88, s6;
	s7 =	simm.s32 @p2 $0x1082  }
0x22: {  	[simem:s7], [sflag:s8] =	dma.local @!p0 [hbm:s6], $0xF7A  }
0x23: {  	s9 =	sor.u32 $0xD0000000, s2;
	s6 =	simm.s32 $0x108;
	_ =	swait.ge @!p0 [sflag:s8], $0x0  }
0x24: {  	s3 =	sadd.s32 $0x88, s3;
	s6 =	simm.s32 @!p1 $0x1082;
	[sflag:s4] =	ssyncset.s32 $0xFFFFF086  }
0x25: {  	[simem:s6], [sflag:s4] =	dma.local [hbm:s3], $0xF7A  }
0x26: {  	[smem:$0x3F99] =	sst s1;
	(tag) =	ssettag s2;
	_ =	strace s9  }
0x27: {  	s1 =	sld [smem:$0x3FA9]  }
0x28: {  	s2 =	sld [smem:$0x3FAA]  }
0x29: {  	s4 =	sld [smem:$0x3FAC]  }
0x2a: {  	p0 =	seq.s32 s5, $0x0;
	s5 =	sld [smem:$0x3FAD]  }
0x2b: {  	s6 =	sld [smem:$0x3FAE]  }
0x2c: {  	s7 =	sld [smem:$0x3FAF]  }
0x2d: {  	s3 =	simm.s32 $0x108;
	s8 =	sld [smem:$0x3FB0]  }
0x2e: {  	s3 =	simm.s32 @!p0 $0x1082;
	s9 =	sld [smem:$0x3FB1]  }
0x2f: {  	lr =	sadd.s32 s0, s3;
	s0 =	sld [smem:$0x3FA8]  }
0x30: {  	s3 =	sld [smem:$0x3FAB]  }
0x31: {  	[smem:$0x3FB4] =	sst s10  }
0x32: {  	s10 =	sld [smem:$0x3FB2];
	_ =	sdelay $0x3  }
0x33: {  	p0 =	seq.s32 s10, $0x1;
	s10 =	sld [smem:$0x3FB4];
	_ =	sdelay $0x3  }
0x34: {  	[smem:$0x3FB4] =	sst s10  }
0x35: {  	s10 =	sld [smem:$0x3FB3];
	_ =	sdelay $0x3  }
0x36: {  	p1 =	seq.s32 s10, $0x1;
	s10 =	sld [smem:$0x3FB4];
	_ =	sdelay $0x3  }
0x37: {  	[smem:$0x3FB4] =	sst s10  }
0x38: {  	s10 =	sld [smem:$0x3FB5]  }
0x39: {  	_ = 	snop;
	(pc) =	sbr.ind lr, $3  }
0x3a: {  	_ = 	snop  }
0x3b: {  	_ = 	snop  }
0x3c: {  	p2 =	seq.s32 s10, $0x1;
	s10 =	sld [smem:$0x3FB4]  }
0x3d: {  	_ =	shalt  }
0x3e: {  	_ =	shalt  }
0x3f: {  	_ =	shalt  }
0x40: {  	_ =	shalt  }
0x41: {  	_ =	shalt  }
0x42: {  	_ =	shalt  }
0x43: {  	_ =	shalt  }
0x44: {  	_ =	shalt  }
0x45: {  	_ =	shalt  }
0x46: {  	_ =	shalt  }
0x47: {  	_ =	shalt  }
0x48: {  	_ =	shalt  }
0x49: {  	_ =	shalt  }
0x4a: {  	_ =	shalt  }
0x4b: {  	_ =	shalt  }
0x4c: {  	_ =	shalt  }
0x4d: {  	_ =	shalt  }
0x4e: {  	_ =	shalt  }
0x4f: {  	_ =	shalt  }
0x50: {  	_ =	shalt  }
0x51: {  	_ =	shalt  }
0x52: {  	_ =	shalt  }
0x53: {  	_ =	shalt  }
0x54: {  	_ =	shalt  }
0x55: {  	_ =	shalt  }
0x56: {  	_ =	shalt  }
0x57: {  	_ =	shalt  }
0x58: {  	_ =	shalt  }
0x59: {  	_ =	shalt  }
0x5a: {  	_ =	shalt  }
0x5b: {  	_ =	shalt  }
0x5c: {  	_ =	shalt  }
0x5d: {  	_ =	shalt  }
0x5e: {  	_ =	shalt  }
0x5f: {  	_ =	shalt  }
0x60: {  	_ =	shalt  }
0x61: {  	_ =	shalt  }
0x62: {  	_ =	shalt  }
0x63: {  	_ =	shalt  }
0x64: {  	_ =	shalt  }
0x65: {  	_ =	shalt  }
0x66: {  	_ =	shalt  }
0x67: {  	_ =	shalt  }
0x68: {  	_ =	shalt  }
0x69: {  	_ =	shalt  }
0x6a: {  	_ =	shalt  }
0x6b: {  	_ =	shalt  }
0x6c: {  	_ =	shalt  }
0x6d: {  	_ =	shalt  }
0x6e: {  	_ =	shalt  }
0x6f: {  	_ =	shalt  }
0x70: {  	_ =	shalt  }
0x71: {  	_ =	shalt  }
0x72: {  	_ =	shalt  }
0x73: {  	_ =	shalt  }
0x74: {  	_ =	shalt  }
0x75: {  	_ =	shalt  }
0x76: {  	_ =	shalt  }
0x77: {  	_ =	shalt  }
0x78: {  	_ =	shalt  }
0x79: {  	_ =	shalt  }
0x7a: {  	_ =	shalt  }
0x7b: {  	_ =	shalt  }
0x7c: {  	_ =	shalt  }
0x7d: {  	_ =	shalt  }
0x7e: {  	_ =	shalt  }
0x7f: {  	_ =	shalt  }
0x80: {  	_ =	shalt  }
0x81: {  	_ =	shalt  }
0x82: {  	_ =	shalt  }
0x83: {  	_ =	shalt  }
0x84: {  	_ =	shalt  }
0x85: {  	_ =	shalt  }
0x86: {  	_ =	shalt  }
0x87: {  	_ =	shalt  }
.Lfunc_end0:
.L_simem_size_0:
called_computation_lowered:
.L_overlay_start_0:
0x88: {  	s2 =	sld [smem:$0x3FD9]  }
0x89: {  	s3 =	sld [smem:$0x3FFE];
	_ =	sdelay $0x1  }
0x8a: {  	s1 =	srdreg.scid  }
0x8b: {  	s0 =	sand.u32 $0x1, s1  }
0x8c: {  	s16 =	sshll.u32 s0, $0xA;
	s2 =	sadd.s32 s3, s2  }
0x8d: {  	s2 =	sadd.s32 s2, s16  }
0x8e: {  	[smem:$0x3FC0] =	sst s2  }
0x8f: {  	_ = 	snop  }
0x90: {  	(tm) =	ssettm $0x1  }
0x91: {  	s17 =	sld [smem:$0x3FFB];
	_ =	sdelay $0x3  }
0x92: {  	_ =	strace s17  }
0x93: {  	s2 =	sld [smem:$0x3FFC];
	_ =	sdelay $0x3  }
0x94: {  	_ =	strace s2  }
0x95: {  	s2 =	sld [smem:$0x3FFD];
	_ =	sdelay $0x3  }
0x96: {  	_ =	strace s2  }
0x97: {  	_ =	strace $0x8FFFFFFF  }
0x98: {  	s18 =	sld [smem:$0x3FDB];
	_ =	sdelay $0x1  }
0x99: {  	s19 =	simm.s32 $_scs_section_size  }
0x9a: {  	s4 =	simm.s32 $_size__tile_overlayer_lowered;
	s5 =	simm.s32 $_tile_overlayer_lowered  }
0x9b: {  	s22 =	simm.s32 $0x1BFF;
	s21 =	sshll.u32 s5, $0x1;
	s2 =	sadd.s32 s19, s18  }
0x9c: {  	s6 =	simm.s32 $0x0;
	s20 =	sshll.u32 s4, $0x1;
	s4 =	sadd.s32 s21, s2  }
0x9d: {  	[timem:s6], [sflag:s22] =	dma.local [hbm:s4], s20  }
0x9e: {  	_ =	swait.ge [sflag:s22], s20  }
0x9f: {  	s3 =	ssub.s32 $0x0, s20;
	[sflag:s22] =	ssyncset.done $0x0  }
0xa0: {  	[sflag:s22] =	ssyncadd.s32 s3;
	_ =	sdelay $0x1  }
0xa1: {  	s23 =	simm.s32 $0x1B8B  }
0xa2: {  	_ =	swait.ge [sflag:s23], $0x1  }
0xa3: {  	[sflag:s23] =	ssyncset.done $0x0  }
0xa4: {  	s25 =	simm.s32 $0x1B8E;
	s24 =	sld [smem:$0x3FFE];
	[sflag:s23] =	ssyncadd.s32 $0xFFFFFFFF  }
0xa5: {  	s26 =	simm.s32 $execute0_lowered;
	[smem:$0x3FD2] =	sst s25  }
0xa6: {  	s4 =	sshll.u32 s26, $0x1;
	_ =	strace $0x80000046;
	[dreg:$0x1] =	wrdreg $0xFFFFFFFF  }
0xa7: {  	s28 =	simm.s32 $_size_execute0_lowered;
	s2 =	sadd.s32 s2, s4;
	[dreg:$0x0] =	wrdreg $0x0  }
0xa8: {  	s4 =	sshll.u32 s28, $0x1;
	[dreg:$0x2] =	wrdreg s2  }
0xa9: {  	[dreg:$0x3] =	wrdreg s4  }
0xaa: {  	[dreg:$0x4] =	wrdreg $0xC0  }
0xab: {  	_ =	task [dreg:s6], $0x5FFFF  }
0xac: {  	[dreg:$0x1] =	wrdreg $0xFFFFFFFF  }
0xad: {  	[dreg:$0x0] =	wrdreg $0x60  }
0xae: {  	[dreg:$0x2] =	wrdreg s24  }
0xaf: {  	[dreg:$0x3] =	wrdreg $0x127500  }
0xb0: {  	[dreg:$0x4] =	wrdreg $0x9  }
0xb1: {  	_ =	task.clear_ibuf [dreg:s6], $0x5FFFF;
	_ =	strace $0x90000046  }
0xb2: {  	s29 =	simm.s32 $0x9;
	_ =	strace $0x80000048  }
0xb3: {  	_ =	swait.ge [sflag:s29], $0x1  }
0xb4: {  	[sflag:s29] =	ssyncadd.s32 $0xFFFFFFFF  }
0xb5: {  	_ =	strace $0x90000048  }
0xb6: {  	_ =	sfence  }
0xb7: {  	s30 =	sld [smem:$0x0];
	_ =	sdelay $0x2  }
0xb8: {  	s31 =	sshll.u32 s1, $0xD;
	s1 =	sshrl.u32 s1, $0x2  }
0xb9: {  	s3 =	sand.u32 $0x4000, s31;
	s1 =	sadd.s32 s1, s30  }
0xba: {  	s0 =	sor.u32 s3, s0;
	s1 =	sshll.u32 s1, $0x11  }
0xbb: {  	s0 =	sor.u32 s1, s0  }
0xbc: {  	s0 =	sadd.s32 $0x8F2B, s0  }
0xbd: {  	[sflag:s0] =	ssyncadd.remote.s32 $0x1  }
0xbe: {  	_ =	sfence.sel $0xFFFF  }
0xbf: {  	[dreg:$0x0] =	wrdreg $0xFFFFFFFF;
	(pc) =	sbr.abs _section_cstart, $3  }
0xc0: {  	[dreg:$0x1] =	wrdreg $0xFFFFFFFF  }
0xc1: {  	_ =	task.clear_ibuf [dreg:s6], $0x2FFFF;
	_ =	strace $0x9FFFFFFF  }
0xc2: {  	(tm) =	ssettm $0x7FFFFFFF  }
0xc3: {  	_ =	shalt  }
tec
execute0_lowered:
.L_overlay_start_1:
0x0: {  	(tag) =	ssettag $0x1  }
0x1: {  	s0 =	rddreg [dreg:$0x0]  }
0x2: {  	s2 =	rddreg [dreg:$0x1]  }
0x3: {  	s13 =	stileid.u32;
	s4 =	srdreg.scid;
	s3 =	simm.s32 $0x0  }
0x4: {  	s12 =	simm.s32 $0xB;
	s14 =	simm.s32 $0x9C40;
	s15 =	simm.s32 $0x50  }
0x5: {  	s16 =	simm.s32 $0xC350;
	s18 =	simm.s32 $0xD750;
	s20 =	simm.s32 $0xEB50  }
0x6: {  	s22 =	simm.s32 $0xFF50;
	s28 =	simm.s32 $0x6;
	s29 =	simm.s32 $0x2  }
0x7: {  	s30 =	simm.s32 $0x7;
	s31 =	simm.s32 $0x3;
	s17 =	simm.s32 $0x9  }
0x8: {  	s19 =	simm.s32 $0x5;
	s21 =	simm.s32 $0xA;
	s1 =	smul.u32 $0x9C4, s13  }
0x9: {  	s23 =	simm.s32 $0x0;
	s5 =	sand.u32 $0x1, s4;
	s6 =	smul.u32 $0x14000, s13  }
0xa: {  	[smem:$0x7FF] =	sst s3;
	s4 =	sadd.s32 $0x14400, s0;
	s9 =	sadd.s32 $0x27E00, s0  }
0xb: {  	s26 =	sshll.u32 s13, $0x6;
	s7 =	smul.u32 $0x140000, s5;
	_ =	strace $0x80000047  }
0xc: {  	s8 =	smul.u32 $0x4E2, s5;
	s5 =	ssub.s32 $0x2, s5;
	[dreg:$0x3] =	wrdreg s9  }
0xd: {  	s1 =	sadd.s32 s1, s0;
	s24 =	sshrl.u32 s5, $0x1;
	s7 =	sadd.s32 s6, s7  }
0xe: {  	s8 =	sadd.s32 s8, s0;
	s5 =	ssub.s32 s5, s24;
	s25 =	sadd.s32 $0xA600, s1  }
0xf: {  	s6 =	sshrl.u32 s6, $0x1;
	s1 =	sadd.s32 $0x800, s1;
	[dreg:$0x4] =	wrdreg s25  }
0x10: {  	s24 =	simm.s32 $0x11350;
	s7 =	sshrl.u32 s7, $0x4;
	[dreg:$0x5] =	wrdreg s1  }
0x11: {  	s8 =	sadd.s32 $0x29200, s8;
	s9 =	sadd.s32 s6, s2;
	s11 =	smax.u32 s5, $0x1  }
0x12: {  	s25 =	sor.u32 $0x1C0B, s26;
	s26 =	simm.s32 $0x1;
	s0 =	sadd.s32 s7, s0  }
0x13: {  	s1 =	simm.s32 $0x4;
	s10 =	sadd.s32 $0x29C00, s0;
	s0 =	simm.s32 $0x8  }
.LBB2_1:
0x14: {  	s5 =	rddreg [dreg:$0x4]  }
0x15: {  	[tilespmem:s3], [sflag:$0xB] =	stream.linear.gather [hbm4b:s5+s3], $0x4E20, $0x38;
	[tilespmem:$0x1C750] =	vst v63  }
0x16: {  	_ =	swait.ge [sflag:s12], $0x4E20  }
0x17: {  	[sflag:s12] =	ssyncset.done $0x0  }
0x18: {  	s6 =	simm.s32 $0x4E20;
	s13 =	rddreg [dreg:$0x5];
	[sflag:s12] =	ssyncadd.s32 $0xFFFFB1E0  }
0x19: {  	[tilespmem:s6], [sflag:$0xB] =	stream.linear.gather [hbm4b:s13+s3], $0x4E20, $0x38;
	[tilespmem:$0x1C750] =	vst v63  }
0x1a: {  	_ =	swait.ge [sflag:s12], $0x4E20  }
0x1b: {  	[sflag:s12] =	ssyncset.done $0x0  }
0x1c: {  	[sflag:s12] =	ssyncadd.s32 $0xFFFFB1E0  }
0x1d: {  	[tilespmem:s14], [sflag:$0xB] =	stream.linear.gather [hbm4b:s8+s3], $0x2710, $0x38;
	[tilespmem:$0x1C750] =	vst v63  }
0x1e: {  	_ =	swait.ge [sflag:s12], $0x2710  }
0x1f: {  	[sflag:s12] =	ssyncset.done $0x0  }
0x20: {  	s5 =	simm.s32 $0x0;
	[sflag:s12] =	ssyncadd.s32 $0xFFFFD8F0  }
0x21: {  	v0 =	vld [tilespmem:s5+$0x4E20];
	_ =	sdelay $0x6  }
0x22: {  	v1 =	vld [tilespmem:s5+$0x4E30]  }
0x23: {  	v0 =	vld.idx.msk [tilespmem:v0+s14+$0x0], $0xffff;
	_ =	sdelay $0x4  }
0x24: {  	[tilespmem:s5+$0x4E20] =	vst v0;
	v0 =	vld [tilespmem:s5+$0x4E40];
	_ =	sdelay $0x1  }
0x25: {  	v1 =	vld.idx.msk [tilespmem:v1+s14+$0x0], $0xffff;
	_ =	sdelay $0x4  }
0x26: {  	[tilespmem:s5+$0x4E30] =	vst v1;
	v1 =	vld [tilespmem:s5+$0x4E50]  }
0x27: {  	v0 =	vld.idx.msk [tilespmem:v0+s14+$0x0], $0xffff;
	_ =	sdelay $0x4  }
0x28: {  	[tilespmem:s5+$0x4E40] =	vst v0;
	v0 =	vld [tilespmem:s5+$0x4E60];
	_ =	sdelay $0x1  }
0x29: {  	v1 =	vld.idx.msk [tilespmem:v1+s14+$0x0], $0xffff;
	_ =	sdelay $0x3  }
0x2a: {  	s7 =	simm.s32 $0x50;
	s6 =	simm.s32 $0x280  }
.LBB2_2:
0x2b: {  	p0 =	sne.s32 s6, $0x13740;
	v2 =	vld [tilespmem:s7+$0x4E20];
	[tilespmem:s5+$0x4E50] =	vst v1  }
0x2c: {  	v0 =	vld.idx.msk [tilespmem:v0+s14+$0x0], $0xffff;
	_ =	sdelay $0x5  }
0x2d: {  	v1 =	vld [tilespmem:s7+$0x4E30];
	[tilespmem:s5+$0x4E60] =	vst v0;
	s5 =	smov.u32 s7  }
0x2e: {  	v0 =	vld.idx.msk [tilespmem:v2+s14+$0x0], $0xffff;
	_ =	sdelay $0x5  }
0x2f: {  	[tilespmem:s5+$0x4E20] =	vst v0;
	v0 =	vld [tilespmem:s5+$0x4E40]  }
0x30: {  	v1 =	vld.idx.msk [tilespmem:v1+s14+$0x0], $0xffff;
	_ =	sdelay $0x5  }
0x31: {  	[tilespmem:s5+$0x4E30] =	vst v1;
	v1 =	vld [tilespmem:s5+$0x4E50]  }
0x32: {  	v0 =	vld.idx.msk [tilespmem:v0+s14+$0x0], $0xffff;
	_ =	sdelay $0x5  }
0x33: {  	[tilespmem:s5+$0x4E40] =	vst v0;
	v0 =	vld [tilespmem:s5+$0x4E60]  }
0x34: {  	v1 =	vld.idx.msk [tilespmem:v1+s14+$0x0], $0xffff  }
.Ltmp0:
0x35: {  	(pc) =	sbr.rel @p0 .LBB2_2-.Ltmp0, $2  }
0x36: {  	_ =	sdelay $0x2  }
0x37: {  	s7 =	sshra.s32 s6, $0x2;
	s6 =	sadd.s32 $0x140, s6  }
0x38: {  	_ =	sdelay $0x1  }
0x39: {  	v2 =	vld [tilespmem:s7+$0x4E20]  }
0x3a: {  	[tilespmem:s5+$0x4E50] =	vst v1  }
0x3b: {  	v0 =	vld.idx.msk [tilespmem:v0+s14+$0x0], $0xffff;
	_ =	sdelay $0x3  }
0x3c: {  	v1 =	vld [tilespmem:s7+$0x4E30]  }
0x3d: {  	[tilespmem:s5+$0x4E60] =	vst v0  }
0x3e: {  	v0 =	vld.idx.msk [tilespmem:v2+s14+$0x0], $0xffff;
	_ =	sdelay $0x3  }
0x3f: {  	v61 =	vld [tilespmem:s7+$0x4E40]  }
0x40: {  	[tilespmem:s7+$0x4E20] =	vst v0  }
0x41: {  	v1 =	vld.idx.msk [tilespmem:v1+s14+$0x0], $0xffff;
	_ =	sdelay $0x3  }
0x42: {  	v62 =	vld [tilespmem:s7+$0x4E50]  }
0x43: {  	[tilespmem:s7+$0x4E30] =	vst v1  }
0x44: {  	v0 =	vld.idx.msk [tilespmem:v61+s14+$0x0], $0xffff;
	_ =	sdelay $0x3  }
0x45: {  	v63 =	vld [tilespmem:s7+$0x4E60]  }
0x46: {  	[tilespmem:s7+$0x4E40] =	vst v0  }
0x47: {  	v1 =	vld.idx.msk [tilespmem:v62+s14+$0x0], $0xffff;
	_ =	sdelay $0x4  }
0x48: {  	[tilespmem:s7+$0x4E50] =	vst v1  }
0x49: {  	v0 =	vld.idx.msk [tilespmem:v63+s14+$0x0], $0xffff;
	_ =	sdelay $0x4  }
0x4a: {  	s6 =	simm.s32 $0x4E20;
	[tilespmem:s7+$0x4E60] =	vst v0  }
0x4b: {  	[tilespmem:s16], [sflag:$0x1] =	stream.indirect.gather [hbm4b:s4+s15], $0x40, s6, s15, $0xb8;
	[tilespmem:$0x1C750] =	vst v63  }
0x4c: {  	s7 =	simm.s32 $0x4E70  }
0x4d: {  	[tilespmem:s18], [sflag:$0x2] =	stream.indirect.gather [hbm4b:s4+s15], $0x40, s7, s15, $0xb8;
	[tilespmem:$0x1C750] =	vst v63  }
0x4e: {  	s13 =	simm.s32 $0x4EC0  }
0x4f: {  	[tilespmem:s20], [sflag:$0x3] =	stream.indirect.gather [hbm4b:s4+s15], $0x40, s13, s15, $0xb8;
	[tilespmem:$0x1C750] =	vst v63  }
0x50: {  	s6 =	simm.s32 $0x4F10  }
0x51: {  	[tilespmem:s22], [sflag:$0x4] =	stream.indirect.gather [hbm4b:s4+s15], $0x40, s6, s15, $0xb8;
	[tilespmem:$0x1C750] =	vst v63  }
0x52: {  	s5 =	sshrl.u32 s9, $0x3;
	s7 =	simm.s32 $0x4F60;
	s6 =	rddreg [dreg:$0x3]  }
0x53: {  	[tilespmem:s24], [sflag:$0x5] =	stream.indirect.gather [hbm4b:s4+s15], $0x40, s7, s15, $0xb8;
	[tilespmem:$0x1C750] =	vst v63  }
0x54: {  	[spmem:s5], [sflag:s25] =	dma.local [hbm:s6], $0x1400  }
0x55: {  	_ =	swait.ge [sflag:s12], $0x1400  }
0x56: {  	[sflag:s12] =	ssyncset.done $0x0  }
0x57: {  	[sflag:s12] =	ssyncadd.s32 $0xFFFFEC00  }
0x58: {  	[bflag:$0x0] =	sbarrier.arrive $0xFFFF  }
0x59: {  	_ =	swait.ge [sflag:s26], $0x1400  }
0x5a: {  	[sflag:s26] =	ssyncset.done $0x0  }
0x5b: {  	s13 =	simm.s32 $0x0;
	[sflag:s26] =	ssyncadd.s32 $0xFFFFEC00  }
0x5c: {  	[spmem:s2] =	stream.indirect.scatter.add.bf16 [tilespmem:s16], [sflag:$0x6], $0x40, s13, s15, $0xb8;
	[tilespmem:$0x1C750] =	vst v63  }
0x5d: {  	_ =	swait.ge [sflag:s28], $0x1400  }
0x5e: {  	[sflag:s28] =	ssyncset.done $0x0  }
0x5f: {  	s7 =	simm.s32 $0x4FB0;
	[sflag:s28] =	ssyncadd.s32 $0xFFFFEC00  }
0x60: {  	[tilespmem:s16], [sflag:$0x1] =	stream.indirect.gather [hbm4b:s4+s15], $0x40, s7, s15, $0xb8;
	[tilespmem:$0x1C750] =	vst v63  }
0x61: {  	_ =	swait.ge [sflag:s29], $0x1400  }
0x62: {  	[sflag:s29] =	ssyncset.done $0x0  }
0x63: {  	s13 =	simm.s32 $0x50;
	[sflag:s29] =	ssyncadd.s32 $0xFFFFEC00  }
0x64: {  	[spmem:s2] =	stream.indirect.scatter.add.bf16 [tilespmem:s18], [sflag:$0x7], $0x40, s13, s15, $0xb8;
	[tilespmem:$0x1C750] =	vst v63  }
0x65: {  	_ =	swait.ge [sflag:s30], $0x1400  }
0x66: {  	[sflag:s30] =	ssyncset.done $0x0  }
0x67: {  	s7 =	simm.s32 $0x5000;
	[sflag:s30] =	ssyncadd.s32 $0xFFFFEC00  }
0x68: {  	[tilespmem:s18], [sflag:$0x2] =	stream.indirect.gather [hbm4b:s4+s15], $0x40, s7, s15, $0xb8;
	[tilespmem:$0x1C750] =	vst v63  }
0x69: {  	_ =	swait.ge [sflag:s31], $0x1400  }
0x6a: {  	[sflag:s31] =	ssyncset.done $0x0  }
0x6b: {  	s13 =	simm.s32 $0xA0;
	[sflag:s31] =	ssyncadd.s32 $0xFFFFEC00  }
0x6c: {  	[spmem:s2] =	stream.indirect.scatter.add.bf16 [tilespmem:s20], [sflag:$0x8], $0x40, s13, s15, $0xb8;
	[tilespmem:$0x1C750] =	vst v63  }
0x6d: {  	_ =	swait.ge [sflag:s0], $0x1400  }
0x6e: {  	[sflag:s0] =	ssyncset.done $0x0  }
0x6f: {  	s7 =	simm.s32 $0x5050;
	[sflag:s0] =	ssyncadd.s32 $0xFFFFEC00  }
0x70: {  	[tilespmem:s20], [sflag:$0x3] =	stream.indirect.gather [hbm4b:s4+s15], $0x40, s7, s15, $0xb8;
	[tilespmem:$0x1C750] =	vst v63  }
0x71: {  	_ =	swait.ge [sflag:s1], $0x1400  }
0x72: {  	[sflag:s1] =	ssyncset.done $0x0  }
0x73: {  	s13 =	simm.s32 $0xF0;
	[sflag:s1] =	ssyncadd.s32 $0xFFFFEC00  }
0x74: {  	[spmem:s2] =	stream.indirect.scatter.add.bf16 [tilespmem:s22], [sflag:$0x9], $0x40, s13, s15, $0xb8;
	[tilespmem:$0x1C750] =	vst v63  }
0x75: {  	_ =	swait.ge [sflag:s17], $0x1400  }
0x76: {  	[sflag:s17] =	ssyncset.done $0x0  }
0x77: {  	s7 =	simm.s32 $0x50A0;
	[sflag:s17] =	ssyncadd.s32 $0xFFFFEC00  }
0x78: {  	[tilespmem:s22], [sflag:$0x4] =	stream.indirect.gather [hbm4b:s4+s15], $0x40, s7, s15, $0xb8;
	[tilespmem:$0x1C750] =	vst v63  }
0x79: {  	_ =	swait.ge [sflag:s19], $0x1400  }
0x7a: {  	[sflag:s19] =	ssyncset.done $0x0  }
0x7b: {  	s13 =	simm.s32 $0x140;
	[sflag:s19] =	ssyncadd.s32 $0xFFFFEC00  }
0x7c: {  	[spmem:s2] =	stream.indirect.scatter.add.bf16 [tilespmem:s24], [sflag:$0xA], $0x40, s13, s15, $0xb8;
	[tilespmem:$0x1C750] =	vst v63  }
0x7d: {  	_ =	swait.ge [sflag:s21], $0x1400  }
0x7e: {  	[sflag:s21] =	ssyncset.done $0x0  }
0x7f: {  	s6 =	simm.s32 $0x640;
	s7 =	simm.s32 $0x50F0;
	[sflag:s21] =	ssyncadd.s32 $0xFFFFEC00  }
.LBB2_4:
0x80: {  	[tilespmem:s24], [sflag:$0x5] =	stream.indirect.gather [hbm4b:s4+s15], $0x40, s7, s15, $0xb8;
	[tilespmem:$0x1C750] =	vst v63  }
0x81: {  	s7 =	smov.u32 s6  }
0x82: {  	p0 =	sne.s32 s6, $0x12C00;
	s6 =	sadd.s32 $0x640, s6;
	_ =	swait.ge [sflag:s26], $0x1400  }
0x83: {  	[sflag:s26] =	ssyncset.done $0x0  }
0x84: {  	s7 =	sshra.s32 s7, $0x2;
	[sflag:s26] =	ssyncadd.s32 $0xFFFFEC00  }
0x85: {  	[spmem:s2] =	stream.indirect.scatter.add.bf16 [tilespmem:s16], [sflag:$0x6], $0x40, s7, s15, $0xb8;
	[tilespmem:$0x1C750] =	vst v63  }
0x86: {  	_ =	swait.ge [sflag:s28], $0x1400  }
0x87: {  	[sflag:s28] =	ssyncset.done $0x0  }
0x88: {  	s13 =	sadd.s32 $0x4FB0, s7;
	[sflag:s28] =	ssyncadd.s32 $0xFFFFEC00  }
0x89: {  	[tilespmem:s16], [sflag:$0x1] =	stream.indirect.gather [hbm4b:s4+s15], $0x40, s13, s15, $0xb8;
	[tilespmem:$0x1C750] =	vst v63  }
0x8a: {  	_ =	swait.ge [sflag:s29], $0x1400  }
0x8b: {  	[sflag:s29] =	ssyncset.done $0x0  }
0x8c: {  	s13 =	sadd.s32 $0x50, s7;
	[sflag:s29] =	ssyncadd.s32 $0xFFFFEC00  }
0x8d: {  	[spmem:s2] =	stream.indirect.scatter.add.bf16 [tilespmem:s18], [sflag:$0x7], $0x40, s13, s15, $0xb8;
	[tilespmem:$0x1C750] =	vst v63  }
0x8e: {  	_ =	swait.ge [sflag:s30], $0x1400  }
0x8f: {  	[sflag:s30] =	ssyncset.done $0x0  }
0x90: {  	s13 =	sadd.s32 $0x5000, s7;
	[sflag:s30] =	ssyncadd.s32 $0xFFFFEC00  }
0x91: {  	[tilespmem:s18], [sflag:$0x2] =	stream.indirect.gather [hbm4b:s4+s15], $0x40, s13, s15, $0xb8;
	[tilespmem:$0x1C750] =	vst v63  }
0x92: {  	_ =	swait.ge [sflag:s31], $0x1400  }
0x93: {  	[sflag:s31] =	ssyncset.done $0x0  }
0x94: {  	s13 =	sadd.s32 $0xA0, s7;
	[sflag:s31] =	ssyncadd.s32 $0xFFFFEC00  }
0x95: {  	[spmem:s2] =	stream.indirect.scatter.add.bf16 [tilespmem:s20], [sflag:$0x8], $0x40, s13, s15, $0xb8;
	[tilespmem:$0x1C750] =	vst v63  }
0x96: {  	_ =	swait.ge [sflag:s0], $0x1400  }
0x97: {  	[sflag:s0] =	ssyncset.done $0x0  }
0x98: {  	s13 =	sadd.s32 $0x5050, s7;
	[sflag:s0] =	ssyncadd.s32 $0xFFFFEC00  }
0x99: {  	[tilespmem:s20], [sflag:$0x3] =	stream.indirect.gather [hbm4b:s4+s15], $0x40, s13, s15, $0xb8;
	[tilespmem:$0x1C750] =	vst v63  }
0x9a: {  	_ =	swait.ge [sflag:s1], $0x1400  }
0x9b: {  	[sflag:s1] =	ssyncset.done $0x0  }
0x9c: {  	s13 =	sadd.s32 $0xF0, s7;
	[sflag:s1] =	ssyncadd.s32 $0xFFFFEC00  }
0x9d: {  	[spmem:s2] =	stream.indirect.scatter.add.bf16 [tilespmem:s22], [sflag:$0x9], $0x40, s13, s15, $0xb8;
	[tilespmem:$0x1C750] =	vst v63  }
0x9e: {  	_ =	swait.ge [sflag:s17], $0x1400  }
0x9f: {  	[sflag:s17] =	ssyncset.done $0x0  }
0xa0: {  	s13 =	sadd.s32 $0x50A0, s7;
	[sflag:s17] =	ssyncadd.s32 $0xFFFFEC00  }
0xa1: {  	[tilespmem:s22], [sflag:$0x4] =	stream.indirect.gather [hbm4b:s4+s15], $0x40, s13, s15, $0xb8;
	[tilespmem:$0x1C750] =	vst v63  }
0xa2: {  	_ =	swait.ge [sflag:s19], $0x1400  }
0xa3: {  	[sflag:s19] =	ssyncset.done $0x0  }
.Ltmp1:
0xa4: {  	s13 =	sadd.s32 $0x140, s7;
	[sflag:s19] =	ssyncadd.s32 $0xFFFFEC00;
	(pc) =	sbr.rel @p0 .LBB2_4-.Ltmp1, $4  }
0xa5: {  	[spmem:s2] =	stream.indirect.scatter.add.bf16 [tilespmem:s24], [sflag:$0xA], $0x40, s13, s15, $0xb8;
	[tilespmem:$0x1C750] =	vst v63  }
0xa6: {  	_ =	swait.ge [sflag:s21], $0x1400  }
0xa7: {  	[sflag:s21] =	ssyncset.done $0x0  }
0xa8: {  	s7 =	sadd.s32 $0x50F0, s7;
	[sflag:s21] =	ssyncadd.s32 $0xFFFFEC00  }
0xa9: {  	[tilespmem:s24], [sflag:$0x5] =	stream.indirect.gather [hbm4b:s4+s15], $0x40, s7, s15, $0xb8;
	[tilespmem:$0x1C750] =	vst v63  }
0xaa: {  	_ =	swait.ge [sflag:s26], $0x1400  }
0xab: {  	[sflag:s26] =	ssyncset.done $0x0  }
0xac: {  	s6 =	simm.s32 $0x4C90;
	[sflag:s26] =	ssyncadd.s32 $0xFFFFEC00  }
0xad: {  	[spmem:s2] =	stream.indirect.scatter.add.bf16 [tilespmem:s16], [sflag:$0x6], $0x40, s6, s15, $0xb8;
	[tilespmem:$0x1C750] =	vst v63  }
0xae: {  	_ =	swait.ge [sflag:s28], $0x1400  }
0xaf: {  	[sflag:s28] =	ssyncset.done $0x0  }
0xb0: {  	[sflag:s28] =	ssyncadd.s32 $0xFFFFEC00  }
0xb1: {  	_ =	swait.ge [sflag:s29], $0x1400  }
0xb2: {  	[sflag:s29] =	ssyncset.done $0x0  }
0xb3: {  	s7 =	simm.s32 $0x4CE0;
	[sflag:s29] =	ssyncadd.s32 $0xFFFFEC00  }
0xb4: {  	[spmem:s2] =	stream.indirect.scatter.add.bf16 [tilespmem:s18], [sflag:$0x7], $0x40, s7, s15, $0xb8;
	[tilespmem:$0x1C750] =	vst v63  }
0xb5: {  	_ =	swait.ge [sflag:s30], $0x1400  }
0xb6: {  	[sflag:s30] =	ssyncset.done $0x0  }
0xb7: {  	[sflag:s30] =	ssyncadd.s32 $0xFFFFEC00  }
0xb8: {  	_ =	swait.ge [sflag:s31], $0x1400  }
0xb9: {  	[sflag:s31] =	ssyncset.done $0x0  }
0xba: {  	s13 =	simm.s32 $0x4D30;
	[sflag:s31] =	ssyncadd.s32 $0xFFFFEC00  }
0xbb: {  	[spmem:s2] =	stream.indirect.scatter.add.bf16 [tilespmem:s20], [sflag:$0x8], $0x40, s13, s15, $0xb8;
	[tilespmem:$0x1C750] =	vst v63  }
0xbc: {  	_ =	swait.ge [sflag:s0], $0x1400  }
0xbd: {  	[sflag:s0] =	ssyncset.done $0x0  }
0xbe: {  	[sflag:s0] =	ssyncadd.s32 $0xFFFFEC00  }
0xbf: {  	_ =	swait.ge [sflag:s1], $0x1400  }
0xc0: {  	[sflag:s1] =	ssyncset.done $0x0  }
0xc1: {  	s7 =	simm.s32 $0x4D80;
	[sflag:s1] =	ssyncadd.s32 $0xFFFFEC00  }
0xc2: {  	[spmem:s2] =	stream.indirect.scatter.add.bf16 [tilespmem:s22], [sflag:$0x9], $0x40, s7, s15, $0xb8;
	[tilespmem:$0x1C750] =	vst v63  }
0xc3: {  	_ =	swait.ge [sflag:s17], $0x1400  }
0xc4: {  	[sflag:s17] =	ssyncset.done $0x0  }
0xc5: {  	[sflag:s17] =	ssyncadd.s32 $0xFFFFEC00  }
0xc6: {  	_ =	swait.ge [sflag:s19], $0x1400  }
0xc7: {  	[sflag:s19] =	ssyncset.done $0x0  }
0xc8: {  	s13 =	simm.s32 $0x4DD0;
	[sflag:s19] =	ssyncadd.s32 $0xFFFFEC00  }
0xc9: {  	[spmem:s2] =	stream.indirect.scatter.add.bf16 [tilespmem:s24], [sflag:$0xA], $0x40, s13, s15, $0xb8;
	[tilespmem:$0x1C750] =	vst v63  }
0xca: {  	_ =	swait.ge [sflag:s21], $0x1400  }
0xcb: {  	s23 =	sadd.s32 $0x1, s23;
	[sflag:s21] =	ssyncset.done $0x0  }
0xcc: {  	p0 =	sne.s32 s23, s11;
	[sflag:s21] =	ssyncadd.s32 $0xFFFFEC00  }
.Ltmp2:
0xcd: {  	[bflag:$0x0] =	sbarrier.arrive $0xFFFF;
	(pc) =	sbr.rel @p0 .LBB2_1-.Ltmp2, $4  }
0xce: {  	[hbm:s10], [sflag:s25] =	dma.local [spmem:s5], $0x1400  }
0xcf: {  	_ =	swait.ge [sflag:s12], $0x1400  }
0xd0: {  	[sflag:s12] =	ssyncset.done $0x0  }
0xd1: {  	[sflag:s12] =	ssyncadd.s32 $0xFFFFEC00  }
0xd2: {  	_ =	sfence.sel $0x180000  }
0xd3: {  	[bflag:$0x0] =	sbarrier.arrive $0xFFFF  }
0xd4: {  	_ =	strace $0x90000047  }
0xd5: {  	s0 =	stileid.u32;
	[bflag:$0x2] =	sbarrier.arrive $0xFFFF  }
0xd6: {  	p0 =	sne.s32 s0, $0x0;
	s0 =	rddreg [dreg:$0x2]  }
0xd7: {  	s0 =	sadd.s32 @!p0 $0x100000, s0  }
0xd8: {  	[sflag:s0] =	ssyncadd.tile.s32 @!p0 $0x1;
	_ =	shalt  }
.Lfunc_end2:
_tile_overlayer_lowered:
.L_overlay_start_2:
0xd9: {  	(tag) =	ssettag $0x2  }
0xda: {  	s0 =	rddreg [dreg:$0x0];
	s2 =	stileid.u32  }
0xdb: {  	s1 =	rddreg [dreg:$0x1];
	p0 =	sne.s32 s2, $0x0  }
0xdc: {  	s3 =	rddreg [dreg:$0x2];
	[bflag:$0x3] =	sbarrier.arrive $0xFFFF;
	s2 =	simm.s32 @!p0 $0x1C0B  }
0xdd: {  	[timem:s3], [sflag:s2] =	dma.local @!p0 [hbm:s0], s1  }
0xde: {  	s0 =	simm.s32 @!p0 $0xB  }
0xdf: {  	_ =	swait.ge @!p0 [sflag:s0], s1  }
0xe0: {  	s1 =	ssub.s32 @!p0 $0x0, s1;
	[sflag:s0] =	ssyncset.done @!p0 $0x0  }
0xe1: {  	[sflag:s0] =	ssyncadd.s32 @!p0 s1  }
0xe2: {  	[bflag:$0x3] =	sbarrier.arrive $0xFFFF  }
0xe3: {  	_ =	shalt  }

</sc_bundles>
